<compile_context>
chip_gen: v7x
topology: tpu7x:2x2x1
jax: 0.10.2.dev20260603
libtpu: 0.0.44.dev20260713+nightly
codegen_flags: <defaults>
</compile_context>

<pallas_src>
import functools

import jax
import jax.numpy as jnp
import numpy as np
from jax import lax
from jax.experimental import pallas as pl
from jax.experimental.pallas import tpu as pltpu
from jax.experimental.pallas import tpu_sc as plsc

MASK_PCT = 0.6
RATIO = 0.5
B, N, D = 4, 4096, 1024
NC, NS = 2, 16
NW = NC * NS


def _tf2x32(k1, k2, x1, x2):
    rot = [(13, 15, 26, 6), (17, 29, 16, 24)]
    ks = [np.uint32(k1), np.uint32(k2),
          np.uint32(np.uint32(k1) ^ np.uint32(k2) ^ np.uint32(0x1BD11BDA))]
    def rotl(x, d):
        return ((x << np.uint32(d)) | (x >> np.uint32(32 - d))).astype(np.uint32)
    x0 = (x1.astype(np.uint32) + ks[0]).astype(np.uint32)
    x1_ = (x2.astype(np.uint32) + ks[1]).astype(np.uint32)
    for i in range(5):
        for r in rot[i % 2]:
            x0 = (x0 + x1_).astype(np.uint32)
            x1_ = x0 ^ rotl(x1_, r)
        x0 = (x0 + ks[(i + 1) % 3]).astype(np.uint32)
        x1_ = (x1_ + ks[(i + 2) % 3] + np.uint32(i + 1)).astype(np.uint32)
    return x0, x1_


def _counts(n):
    idx = np.arange(n, dtype=np.uint64)
    return ((idx >> np.uint64(32)).astype(np.uint32),
            (idx & np.uint64(0xFFFFFFFF)).astype(np.uint32))


def _random_bits32(key, n):
    b1, b2 = _tf2x32(key[0], key[1], *_counts(n))
    return b1 ^ b2


def _split_key(key, num):
    b1, b2 = _tf2x32(key[0], key[1], *_counts(num))
    return [(b1[i], b2[i]) for i in range(num)]


def _bernoulli(key, p, n):
    bits = _random_bits32(key, n)
    u = ((bits >> np.uint32(9)) | np.uint32(0x3F800000)).view(np.float32) - np.float32(1.0)
    return np.maximum(np.float32(0.0), u) < np.float32(p)


def _randint(key, n, minval, maxval):
    k1, k2 = _split_key(key, 2)
    hi, lo = _random_bits32(k1, n), _random_bits32(k2, n)
    span = np.uint32(maxval - minval)
    mult = np.uint32((int(2 ** 16 % int(span)) ** 2) % int(span))
    off = ((hi % span) * mult + lo % span) % span
    return np.int32(minval) + off.astype(np.int32)


def _static_mask() -> np.ndarray:
    key = (np.uint32(0), np.uint32(42))
    k1, k2, k3 = _split_key(key, 3)
    mask_len = int(MASK_PCT * N)
    coin = _bernoulli(k1, RATIO, B)
    rand_mask = _bernoulli(k2, MASK_PCT, B * N).reshape(B, N)
    start = _randint(k3, B, 0, N - mask_len)
    pos = np.arange(N)
    cutout = (pos[None, :] >= start[:, None]) & (pos[None, :] < start[:, None] + mask_len)
    return np.where(coin[:, None], rand_mask, cutout)


_MASK_NP = _static_mask()


def _runs(row):
    edges = np.flatnonzero(np.diff(row.astype(np.int8)))
    starts = np.concatenate([[0], edges + 1])
    ends = np.concatenate([edges + 1, [len(row)]])
    return [(int(s), int(e - s), bool(row[s])) for s, e in zip(starts, ends)]


def _split_pad(ids, per_worker):
    n = len(ids)
    base, rem = divmod(n, NW)
    out = np.empty((NW, per_worker), dtype=np.int32)
    off = 0
    for w in range(NW):
        cnt = base + (1 if w < rem else 0)
        sl = ids[off:off + cnt]
        off += cnt
        out[w, :cnt] = sl
        out[w, cnt:] = sl[-1] if cnt else ids[-1]
    return out


_LIN_X = []
_LIN_T = []
_ROWS_U = []
_ROWS_M = []
for _b in range(B):
    _row_runs = _runs(_MASK_NP[_b])
    _off = _b * N
    for _s, _l, _v in _row_runs:
        _g0, _g1 = _off + _s, _off + _s + _l
        if _v and len(_row_runs) <= 8:
            _a0, _a1 = -(-_g0 // 8) * 8, _g1 // 8 * 8
            if _a1 - _a0 >= 8 * NW:
                _lw = -(-(_a1 - _a0) // (8 * NW)) * 8
                _LIN_T.append((_a0, _a1 - _a0, _lw))
                if _a0 > _g0:
                    _ROWS_M.append(np.arange(_g0, _a0))
                if _g1 > _a1:
                    _ROWS_M.append(np.arange(_a1, _g1))
            else:
                _ROWS_M.append(np.arange(_g0, _g1))
        else:
            (_ROWS_M if _v else _ROWS_U).append(np.arange(_g0, _g1))

_ROWS_U = np.concatenate(_ROWS_U).astype(np.int32) if _ROWS_U else np.zeros(0, np.int32)
_ROWS_M = np.concatenate(_ROWS_M).astype(np.int32) if _ROWS_M else np.zeros(0, np.int32)

def _ceil_div(a, b):
    return -(-a // b)


KU = 2
CU = (_ceil_div(_ceil_div(len(_ROWS_U), NW), KU * 8) * 8 if len(_ROWS_U) else 8)
CT = 8
KM = _ceil_div(_ceil_div(len(_ROWS_M), NW), CT) if len(_ROWS_M) else 0
_IDX_U = _split_pad(_ROWS_U, KU * CU).reshape(NW, KU, CU)
_IDX_M = (_split_pad(_ROWS_M, KM * CT).reshape(NW, KM, CT)
          if KM else np.zeros((NW, 1, CT), np.int32))

_SPM_ROWS = 64


def _sc_body(x_hbm, idx_u_hbm, idx_m_hbm, tok_hbm, out_hbm,
             idx_u_v, idx_m_v, buf_v, tok_v, spm,
             sem_lin, sem_g, sem_s, sem_m):
    wid = lax.axis_index("s") * NC + lax.axis_index("c")
    sid = lax.axis_index("s")
    pltpu.sync_copy(idx_u_hbm.at[wid], idx_u_v)
    pltpu.sync_copy(idx_m_hbm.at[wid], idx_m_v)
    pltpu.sync_copy(tok_hbm, tok_v)

    tok_copies = [
        pltpu.async_copy(tok_v, out_hbm.at[idx_m_v.at[j]], sem_m)
        for j in range(KM)
    ]

    @pl.when(sid == 0)
    def _fill_spm():
        for k in range(_SPM_ROWS // CT):
            pltpu.sync_copy(tok_v, spm.at[pl.ds(k * CT, CT)])

    for j in range(KU):
        pltpu.async_copy(x_hbm.at[idx_u_v.at[j]], buf_v, sem_g).wait()
        pltpu.async_copy(buf_v, out_hbm.at[idx_u_v.at[j]], sem_s).wait()

    plsc.subcore_barrier()

    lin_t_copies = []
    for seg_start, seg_len, lw in _LIN_T:
        st = seg_start + jnp.minimum(wid * lw, seg_len - lw)
        for p in range(0, lw, _SPM_ROWS):
            ln = min(_SPM_ROWS, lw - p)
            lin_t_copies.append(pltpu.async_copy(
                spm.at[pl.ds(0, ln)], out_hbm.at[pl.ds(st + p, ln)], sem_lin))

    for c in (*lin_t_copies, *tok_copies):
        c.wait()


@functools.cache
def _sc_masked_copy():
    mesh = plsc.VectorSubcoreMesh(
        core_axis_name="c", subcore_axis_name="s",
        num_cores=NC, num_subcores=NS)
    return pl.kernel(
        _sc_body,
        out_type=jax.ShapeDtypeStruct((B * N, D), jnp.float32),
        mesh=mesh,
        scratch_types=[
            pltpu.VMEM(_IDX_U.shape[1:], jnp.int32),
            pltpu.VMEM(_IDX_M.shape[1:], jnp.int32),
            pltpu.VMEM((CU, D), jnp.float32),
            pltpu.VMEM((CT, D), jnp.float32),
            pltpu.VMEM_SHARED((_SPM_ROWS, D), jnp.float32),
            pltpu.SemaphoreType.DMA,
            pltpu.SemaphoreType.DMA,
            pltpu.SemaphoreType.DMA,
            pltpu.SemaphoreType.DMA,
        ],
    )


def kernel(x, mask_token):
    out = _sc_masked_copy()(
        x.reshape(B * N, D),
        jnp.asarray(_IDX_U),
        jnp.asarray(_IDX_M),
        jnp.broadcast_to(mask_token.astype(jnp.float32), (CT, D)),
    )
    return (out.reshape(B, N, D), jnp.asarray(_MASK_NP))

# --- scband reference (transcript-rebuilt; emitter-appended) ---
"""Pipeline reference for scband-mixed-masking-730144440998 (READ-ONLY COPY).

The authoritative reference and input builder live on the scoring server;
editing this copy changes nothing except your own understanding.
"""

import jax, jax.numpy as jnp
import numpy as np

MASK_PCT = 0.6
RATIO = 0.5


def setup_inputs(seed: int = 0) -> dict:
    key = jax.random.key(seed)
    kx, kt = jax.random.split(key)
    x = jax.random.normal(kx, (4, 4096, 1024), dtype=jnp.float32)
    mask_token = jax.random.normal(kt, (1024,), dtype=jnp.float32)
    return {"x": x, "mask_token": mask_token}


def _make_mask(key, batch_size, n_tokens):
    # Per-sample: with prob RATIO use bernoulli(MASK_PCT) random mask,
    # else a contiguous cutout mask of length int(MASK_PCT * n_tokens)
    # starting at a uniform random position.
    k1, k2, k3 = jax.random.split(key, 3)
    mask_len = int(MASK_PCT * n_tokens)
    coin = jax.random.bernoulli(k1, RATIO, (batch_size,))
    rand_mask = jax.random.bernoulli(k2, MASK_PCT, (batch_size, n_tokens))
    start = jax.random.randint(k3, (batch_size,), 0, n_tokens - mask_len)
    pos = jnp.arange(n_tokens)
    cutout = (pos[None, :] >= start[:, None]) & (pos[None, :] < start[:, None] + mask_len)
    return jnp.where(coin[:, None], rand_mask, cutout)


def reference(x, mask_token):
    b, n = x.shape[0], x.shape[1]
    mask = _make_mask(jax.random.key(42), b, n)
    # torch: x_masked = x.detach().clone(); x_masked[mask] = mask_token
    # x is detached, so no grad flows to x; mask_token is scattered into masked slots.
    x_masked = jnp.where(mask[:, :, None], mask_token[None, None, :], jax.lax.stop_gradient(x))
    return (x_masked, mask)

if __name__ == "__main__":
    import jax
    _d = setup_inputs()
    print(jax.jit(kernel)(*tuple(_d.values())))

</pallas_src>

<mosaic_0001>
#map = affine_map<(d0, d1) -> (0, 0)>
#map1 = affine_map<(d0, d1) -> (0, 0, 0)>
module attributes {stable_mosaic.version = 14 : i64} {
  func.func @_sc_body(%arg0: i32, %arg1: i32, %arg2: memref<16384x1024xf32, #tpu.memory_space<hbm>>, %arg3: memref<32x2x104xi32, #tpu.memory_space<hbm>>, %arg4: memref<32x10x8xi32, #tpu.memory_space<hbm>>, %arg5: memref<8x1024xf32, #tpu.memory_space<hbm>>, %arg6: memref<16384x1024xf32, #tpu.memory_space<hbm>>, %arg7: memref<2x104xi32, #tpu.memory_space<vmem>>, %arg8: memref<10x8xi32, #tpu.memory_space<vmem>>, %arg9: memref<104x1024xf32, #tpu.memory_space<vmem>>, %arg10: memref<8x1024xf32, #tpu.memory_space<vmem>>, %arg11: memref<64x1024xf32, #tpu.memory_space<vmem_shared>>, %arg12: memref<!tpu.dma_semaphore, #tpu.memory_space<semaphore_mem>>, %arg13: memref<!tpu.dma_semaphore, #tpu.memory_space<semaphore_mem>>, %arg14: memref<!tpu.dma_semaphore, #tpu.memory_space<semaphore_mem>>, %arg15: memref<!tpu.dma_semaphore, #tpu.memory_space<semaphore_mem>>) attributes {dimension_semantics = [#tpu.dimension_semantics<core_parallel>, #tpu.dimension_semantics<subcore_parallel>], iteration_bounds = array<i64: 2, 16>, scalar_prefetch = 0 : i64, scratch_operands = 9 : i64, tpu.core_type = #tpu.core_type<sc_vector_subcore>, window_params = [{transform_indices = #map}, {transform_indices = #map1}, {transform_indices = #map1}, {transform_indices = #map}, {transform_indices = #map}]} {
    %mul3A = arith.constant 2 : i32
    %mul3A_0 = arith.muli %arg1, %mul3A : i32
    %add3A = arith.addi %mul3A_0, %arg0 : i32
    "tpu.region"() ({
      %run_scoped3A = tpu.sem_alloc : memref<!tpu.dma_semaphore, #tpu.memory_space<semaphore_mem>>
      %dma_start3A_286 = arith.constant 0 : i32
      %dma_start3A_287 = arith.constant 0 : i32
      %dma_start3A_288 = tpu.memref_slice %arg3[%add3A, %dma_start3A_286, %dma_start3A_287] : memref<32x2x104xi32, #tpu.memory_space<hbm>> -> memref<1x2x104xi32, #tpu.memory_space<hbm>>
      %dma_start3A_289 = tpu.memref_squeeze %dma_start3A_288 : memref<1x2x104xi32, #tpu.memory_space<hbm>> -> memref<2x104xi32, #tpu.memory_space<hbm>>
      %dma_start3A_290 = arith.constant 0 : i32
      %dma_start3A_291 = arith.constant 0 : i32
      %dma_start3A_292 = tpu.memref_slice %arg3[%add3A, %dma_start3A_290, %dma_start3A_291] : memref<32x2x104xi32, #tpu.memory_space<hbm>> -> memref<1x2x104xi32, #tpu.memory_space<hbm>>
      %dma_start3A_293 = tpu.memref_squeeze %dma_start3A_292 : memref<1x2x104xi32, #tpu.memory_space<hbm>> -> memref<2x104xi32, #tpu.memory_space<hbm>>
      tpu.enqueue_dma source(%dma_start3A_293 : memref<2x104xi32, #tpu.memory_space<hbm>>) target(%arg7 : memref<2x104xi32, #tpu.memory_space<vmem>>) target_semaphore(%run_scoped3A : memref<!tpu.dma_semaphore, #tpu.memory_space<semaphore_mem>>)
      %dma_wait3A_294 = arith.constant 0 : i32
      %dma_wait3A_295 = arith.constant 0 : i32
      %dma_wait3A_296 = tpu.memref_slice %arg3[%add3A, %dma_wait3A_294, %dma_wait3A_295] : memref<32x2x104xi32, #tpu.memory_space<hbm>> -> memref<1x2x104xi32, #tpu.memory_space<hbm>>
      %dma_wait3A_297 = tpu.memref_squeeze %dma_wait3A_296 : memref<1x2x104xi32, #tpu.memory_space<hbm>> -> memref<2x104xi32, #tpu.memory_space<hbm>>
      %dma_wait3A_298 = arith.constant 0 : i32
      %dma_wait3A_299 = arith.constant 0 : i32
      %dma_wait3A_300 = tpu.memref_slice %arg3[%add3A, %dma_wait3A_298, %dma_wait3A_299] : memref<32x2x104xi32, #tpu.memory_space<hbm>> -> memref<1x2x104xi32, #tpu.memory_space<hbm>>
      %dma_wait3A_301 = tpu.memref_squeeze %dma_wait3A_300 : memref<1x2x104xi32, #tpu.memory_space<hbm>> -> memref<2x104xi32, #tpu.memory_space<hbm>>
      tpu.wait_dma2 semaphore(%run_scoped3A : memref<!tpu.dma_semaphore, #tpu.memory_space<semaphore_mem>>) src(%dma_wait3A_301 : memref<2x104xi32, #tpu.memory_space<hbm>>) dst(%arg7 : memref<2x104xi32, #tpu.memory_space<vmem>>)
      tpu.yield
    }) : () -> ()
    "tpu.region"() ({
      %run_scoped3A = tpu.sem_alloc : memref<!tpu.dma_semaphore, #tpu.memory_space<semaphore_mem>>
      %dma_start3A_286 = arith.constant 0 : i32
      %dma_start3A_287 = arith.constant 0 : i32
      %dma_start3A_288 = tpu.memref_slice %arg4[%add3A, %dma_start3A_286, %dma_start3A_287] : memref<32x10x8xi32, #tpu.memory_space<hbm>> -> memref<1x10x8xi32, #tpu.memory_space<hbm>>
      %dma_start3A_289 = tpu.memref_squeeze %dma_start3A_288 : memref<1x10x8xi32, #tpu.memory_space<hbm>> -> memref<10x8xi32, #tpu.memory_space<hbm>>
      %dma_start3A_290 = arith.constant 0 : i32
      %dma_start3A_291 = arith.constant 0 : i32
      %dma_start3A_292 = tpu.memref_slice %arg4[%add3A, %dma_start3A_290, %dma_start3A_291] : memref<32x10x8xi32, #tpu.memory_space<hbm>> -> memref<1x10x8xi32, #tpu.memory_space<hbm>>
      %dma_start3A_293 = tpu.memref_squeeze %dma_start3A_292 : memref<1x10x8xi32, #tpu.memory_space<hbm>> -> memref<10x8xi32, #tpu.memory_space<hbm>>
      tpu.enqueue_dma source(%dma_start3A_293 : memref<10x8xi32, #tpu.memory_space<hbm>>) target(%arg8 : memref<10x8xi32, #tpu.memory_space<vmem>>) target_semaphore(%run_scoped3A : memref<!tpu.dma_semaphore, #tpu.memory_space<semaphore_mem>>)
      %dma_wait3A_294 = arith.constant 0 : i32
      %dma_wait3A_295 = arith.constant 0 : i32
      %dma_wait3A_296 = tpu.memref_slice %arg4[%add3A, %dma_wait3A_294, %dma_wait3A_295] : memref<32x10x8xi32, #tpu.memory_space<hbm>> -> memref<1x10x8xi32, #tpu.memory_space<hbm>>
      %dma_wait3A_297 = tpu.memref_squeeze %dma_wait3A_296 : memref<1x10x8xi32, #tpu.memory_space<hbm>> -> memref<10x8xi32, #tpu.memory_space<hbm>>
      %dma_wait3A_298 = arith.constant 0 : i32
      %dma_wait3A_299 = arith.constant 0 : i32
      %dma_wait3A_300 = tpu.memref_slice %arg4[%add3A, %dma_wait3A_298, %dma_wait3A_299] : memref<32x10x8xi32, #tpu.memory_space<hbm>> -> memref<1x10x8xi32, #tpu.memory_space<hbm>>
      %dma_wait3A_301 = tpu.memref_squeeze %dma_wait3A_300 : memref<1x10x8xi32, #tpu.memory_space<hbm>> -> memref<10x8xi32, #tpu.memory_space<hbm>>
      tpu.wait_dma2 semaphore(%run_scoped3A : memref<!tpu.dma_semaphore, #tpu.memory_space<semaphore_mem>>) src(%dma_wait3A_301 : memref<10x8xi32, #tpu.memory_space<hbm>>) dst(%arg8 : memref<10x8xi32, #tpu.memory_space<vmem>>)
      tpu.yield
    }) : () -> ()
    "tpu.region"() ({
      %run_scoped3A = tpu.sem_alloc : memref<!tpu.dma_semaphore, #tpu.memory_space<semaphore_mem>>
      tpu.enqueue_dma source(%arg5 : memref<8x1024xf32, #tpu.memory_space<hbm>>) target(%arg10 : memref<8x1024xf32, #tpu.memory_space<vmem>>) target_semaphore(%run_scoped3A : memref<!tpu.dma_semaphore, #tpu.memory_space<semaphore_mem>>)
      tpu.wait_dma2 semaphore(%run_scoped3A : memref<!tpu.dma_semaphore, #tpu.memory_space<semaphore_mem>>) src(%arg5 : memref<8x1024xf32, #tpu.memory_space<hbm>>) dst(%arg10 : memref<8x1024xf32, #tpu.memory_space<vmem>>)
      tpu.yield
    }) : () -> ()
    %dma_start3A = arith.constant 0 : i32
    %dma_start3A_1 = arith.constant 0 : i32
    %dma_start3A_2 = tpu.memref_slice %arg8[%dma_start3A, %dma_start3A_1] : memref<10x8xi32, #tpu.memory_space<vmem>> -> memref<1x8xi32, #tpu.memory_space<vmem>>
    %dma_start3A_3 = tpu.memref_squeeze %dma_start3A_2 : memref<1x8xi32, #tpu.memory_space<vmem>> -> memref<8xi32, #tpu.memory_space<vmem>>
    %dma_start3A_4 = arith.constant 0 : i32
    %dma_start3A_5 = arith.constant 0 : i32
    %dma_start3A_6 = tpu.memref_slice %arg6[%dma_start3A_4, %dma_start3A_5] : memref<16384x1024xf32, #tpu.memory_space<hbm>> -> memref<16384x1024xf32, #tpu.memory_space<hbm>>
    tpu.enqueue_indirect_dma source(%arg10 : memref<8x1024xf32, #tpu.memory_space<vmem>>) target(%dma_start3A_6 : memref<16384x1024xf32, #tpu.memory_space<hbm>>) offsets(%dma_start3A_3 : memref<8xi32, #tpu.memory_space<vmem>>) semaphore(%arg15 : memref<!tpu.dma_semaphore, #tpu.memory_space<semaphore_mem>>)
    %dma_start3A_7 = arith.constant 1 : i32
    %dma_start3A_8 = arith.constant 0 : i32
    %dma_start3A_9 = tpu.memref_slice %arg8[%dma_start3A_7, %dma_start3A_8] : memref<10x8xi32, #tpu.memory_space<vmem>> -> memref<1x8xi32, #tpu.memory_space<vmem>>
    %dma_start3A_10 = tpu.memref_squeeze %dma_start3A_9 : memref<1x8xi32, #tpu.memory_space<vmem>> -> memref<8xi32, #tpu.memory_space<vmem>>
    %dma_start3A_11 = arith.constant 0 : i32
    %dma_start3A_12 = arith.constant 0 : i32
    %dma_start3A_13 = tpu.memref_slice %arg6[%dma_start3A_11, %dma_start3A_12] : memref<16384x1024xf32, #tpu.memory_space<hbm>> -> memref<16384x1024xf32, #tpu.memory_space<hbm>>
    tpu.enqueue_indirect_dma source(%arg10 : memref<8x1024xf32, #tpu.memory_space<vmem>>) target(%dma_start3A_13 : memref<16384x1024xf32, #tpu.memory_space<hbm>>) offsets(%dma_start3A_10 : memref<8xi32, #tpu.memory_space<vmem>>) semaphore(%arg15 : memref<!tpu.dma_semaphore, #tpu.memory_space<semaphore_mem>>)
    %dma_start3A_14 = arith.constant 2 : i32
    %dma_start3A_15 = arith.constant 0 : i32
    %dma_start3A_16 = tpu.memref_slice %arg8[%dma_start3A_14, %dma_start3A_15] : memref<10x8xi32, #tpu.memory_space<vmem>> -> memref<1x8xi32, #tpu.memory_space<vmem>>
    %dma_start3A_17 = tpu.memref_squeeze %dma_start3A_16 : memref<1x8xi32, #tpu.memory_space<vmem>> -> memref<8xi32, #tpu.memory_space<vmem>>
    %dma_start3A_18 = arith.constant 0 : i32
    %dma_start3A_19 = arith.constant 0 : i32
    %dma_start3A_20 = tpu.memref_slice %arg6[%dma_start3A_18, %dma_start3A_19] : memref<16384x1024xf32, #tpu.memory_space<hbm>> -> memref<16384x1024xf32, #tpu.memory_space<hbm>>
    tpu.enqueue_indirect_dma source(%arg10 : memref<8x1024xf32, #tpu.memory_space<vmem>>) target(%dma_start3A_20 : memref<16384x1024xf32, #tpu.memory_space<hbm>>) offsets(%dma_start3A_17 : memref<8xi32, #tpu.memory_space<vmem>>) semaphore(%arg15 : memref<!tpu.dma_semaphore, #tpu.memory_space<semaphore_mem>>)
    %dma_start3A_21 = arith.constant 3 : i32
    %dma_start3A_22 = arith.constant 0 : i32
    %dma_start3A_23 = tpu.memref_slice %arg8[%dma_start3A_21, %dma_start3A_22] : memref<10x8xi32, #tpu.memory_space<vmem>> -> memref<1x8xi32, #tpu.memory_space<vmem>>
    %dma_start3A_24 = tpu.memref_squeeze %dma_start3A_23 : memref<1x8xi32, #tpu.memory_space<vmem>> -> memref<8xi32, #tpu.memory_space<vmem>>
    %dma_start3A_25 = arith.constant 0 : i32
    %dma_start3A_26 = arith.constant 0 : i32
    %dma_start3A_27 = tpu.memref_slice %arg6[%dma_start3A_25, %dma_start3A_26] : memref<16384x1024xf32, #tpu.memory_space<hbm>> -> memref<16384x1024xf32, #tpu.memory_space<hbm>>
    tpu.enqueue_indirect_dma source(%arg10 : memref<8x1024xf32, #tpu.memory_space<vmem>>) target(%dma_start3A_27 : memref<16384x1024xf32, #tpu.memory_space<hbm>>) offsets(%dma_start3A_24 : memref<8xi32, #tpu.memory_space<vmem>>) semaphore(%arg15 : memref<!tpu.dma_semaphore, #tpu.memory_space<semaphore_mem>>)
    %dma_start3A_28 = arith.constant 4 : i32
    %dma_start3A_29 = arith.constant 0 : i32
    %dma_start3A_30 = tpu.memref_slice %arg8[%dma_start3A_28, %dma_start3A_29] : memref<10x8xi32, #tpu.memory_space<vmem>> -> memref<1x8xi32, #tpu.memory_space<vmem>>
    %dma_start3A_31 = tpu.memref_squeeze %dma_start3A_30 : memref<1x8xi32, #tpu.memory_space<vmem>> -> memref<8xi32, #tpu.memory_space<vmem>>
    %dma_start3A_32 = arith.constant 0 : i32
    %dma_start3A_33 = arith.constant 0 : i32
    %dma_start3A_34 = tpu.memref_slice %arg6[%dma_start3A_32, %dma_start3A_33] : memref<16384x1024xf32, #tpu.memory_space<hbm>> -> memref<16384x1024xf32, #tpu.memory_space<hbm>>
    tpu.enqueue_indirect_dma source(%arg10 : memref<8x1024xf32, #tpu.memory_space<vmem>>) target(%dma_start3A_34 : memref<16384x1024xf32, #tpu.memory_space<hbm>>) offsets(%dma_start3A_31 : memref<8xi32, #tpu.memory_space<vmem>>) semaphore(%arg15 : memref<!tpu.dma_semaphore, #tpu.memory_space<semaphore_mem>>)
    %dma_start3A_35 = arith.constant 5 : i32
    %dma_start3A_36 = arith.constant 0 : i32
    %dma_start3A_37 = tpu.memref_slice %arg8[%dma_start3A_35, %dma_start3A_36] : memref<10x8xi32, #tpu.memory_space<vmem>> -> memref<1x8xi32, #tpu.memory_space<vmem>>
    %dma_start3A_38 = tpu.memref_squeeze %dma_start3A_37 : memref<1x8xi32, #tpu.memory_space<vmem>> -> memref<8xi32, #tpu.memory_space<vmem>>
    %dma_start3A_39 = arith.constant 0 : i32
    %dma_start3A_40 = arith.constant 0 : i32
    %dma_start3A_41 = tpu.memref_slice %arg6[%dma_start3A_39, %dma_start3A_40] : memref<16384x1024xf32, #tpu.memory_space<hbm>> -> memref<16384x1024xf32, #tpu.memory_space<hbm>>
    tpu.enqueue_indirect_dma source(%arg10 : memref<8x1024xf32, #tpu.memory_space<vmem>>) target(%dma_start3A_41 : memref<16384x1024xf32, #tpu.memory_space<hbm>>) offsets(%dma_start3A_38 : memref<8xi32, #tpu.memory_space<vmem>>) semaphore(%arg15 : memref<!tpu.dma_semaphore, #tpu.memory_space<semaphore_mem>>)
    %dma_start3A_42 = arith.constant 6 : i32
    %dma_start3A_43 = arith.constant 0 : i32
    %dma_start3A_44 = tpu.memref_slice %arg8[%dma_start3A_42, %dma_start3A_43] : memref<10x8xi32, #tpu.memory_space<vmem>> -> memref<1x8xi32, #tpu.memory_space<vmem>>
    %dma_start3A_45 = tpu.memref_squeeze %dma_start3A_44 : memref<1x8xi32, #tpu.memory_space<vmem>> -> memref<8xi32, #tpu.memory_space<vmem>>
    %dma_start3A_46 = arith.constant 0 : i32
    %dma_start3A_47 = arith.constant 0 : i32
    %dma_start3A_48 = tpu.memref_slice %arg6[%dma_start3A_46, %dma_start3A_47] : memref<16384x1024xf32, #tpu.memory_space<hbm>> -> memref<16384x1024xf32, #tpu.memory_space<hbm>>
    tpu.enqueue_indirect_dma source(%arg10 : memref<8x1024xf32, #tpu.memory_space<vmem>>) target(%dma_start3A_48 : memref<16384x1024xf32, #tpu.memory_space<hbm>>) offsets(%dma_start3A_45 : memref<8xi32, #tpu.memory_space<vmem>>) semaphore(%arg15 : memref<!tpu.dma_semaphore, #tpu.memory_space<semaphore_mem>>)
    %dma_start3A_49 = arith.constant 7 : i32
    %dma_start3A_50 = arith.constant 0 : i32
    %dma_start3A_51 = tpu.memref_slice %arg8[%dma_start3A_49, %dma_start3A_50] : memref<10x8xi32, #tpu.memory_space<vmem>> -> memref<1x8xi32, #tpu.memory_space<vmem>>
    %dma_start3A_52 = tpu.memref_squeeze %dma_start3A_51 : memref<1x8xi32, #tpu.memory_space<vmem>> -> memref<8xi32, #tpu.memory_space<vmem>>
    %dma_start3A_53 = arith.constant 0 : i32
    %dma_start3A_54 = arith.constant 0 : i32
    %dma_start3A_55 = tpu.memref_slice %arg6[%dma_start3A_53, %dma_start3A_54] : memref<16384x1024xf32, #tpu.memory_space<hbm>> -> memref<16384x1024xf32, #tpu.memory_space<hbm>>
    tpu.enqueue_indirect_dma source(%arg10 : memref<8x1024xf32, #tpu.memory_space<vmem>>) target(%dma_start3A_55 : memref<16384x1024xf32, #tpu.memory_space<hbm>>) offsets(%dma_start3A_52 : memref<8xi32, #tpu.memory_space<vmem>>) semaphore(%arg15 : memref<!tpu.dma_semaphore, #tpu.memory_space<semaphore_mem>>)
    %dma_start3A_56 = arith.constant 8 : i32
    %dma_start3A_57 = arith.constant 0 : i32
    %dma_start3A_58 = tpu.memref_slice %arg8[%dma_start3A_56, %dma_start3A_57] : memref<10x8xi32, #tpu.memory_space<vmem>> -> memref<1x8xi32, #tpu.memory_space<vmem>>
    %dma_start3A_59 = tpu.memref_squeeze %dma_start3A_58 : memref<1x8xi32, #tpu.memory_space<vmem>> -> memref<8xi32, #tpu.memory_space<vmem>>
    %dma_start3A_60 = arith.constant 0 : i32
    %dma_start3A_61 = arith.constant 0 : i32
    %dma_start3A_62 = tpu.memref_slice %arg6[%dma_start3A_60, %dma_start3A_61] : memref<16384x1024xf32, #tpu.memory_space<hbm>> -> memref<16384x1024xf32, #tpu.memory_space<hbm>>
    tpu.enqueue_indirect_dma source(%arg10 : memref<8x1024xf32, #tpu.memory_space<vmem>>) target(%dma_start3A_62 : memref<16384x1024xf32, #tpu.memory_space<hbm>>) offsets(%dma_start3A_59 : memref<8xi32, #tpu.memory_space<vmem>>) semaphore(%arg15 : memref<!tpu.dma_semaphore, #tpu.memory_space<semaphore_mem>>)
    %dma_start3A_63 = arith.constant 9 : i32
    %dma_start3A_64 = arith.constant 0 : i32
    %dma_start3A_65 = tpu.memref_slice %arg8[%dma_start3A_63, %dma_start3A_64] : memref<10x8xi32, #tpu.memory_space<vmem>> -> memref<1x8xi32, #tpu.memory_space<vmem>>
    %dma_start3A_66 = tpu.memref_squeeze %dma_start3A_65 : memref<1x8xi32, #tpu.memory_space<vmem>> -> memref<8xi32, #tpu.memory_space<vmem>>
    %dma_start3A_67 = arith.constant 0 : i32
    %dma_start3A_68 = arith.constant 0 : i32
    %dma_start3A_69 = tpu.memref_slice %arg6[%dma_start3A_67, %dma_start3A_68] : memref<16384x1024xf32, #tpu.memory_space<hbm>> -> memref<16384x1024xf32, #tpu.memory_space<hbm>>
    tpu.enqueue_indirect_dma source(%arg10 : memref<8x1024xf32, #tpu.memory_space<vmem>>) target(%dma_start3A_69 : memref<16384x1024xf32, #tpu.memory_space<hbm>>) offsets(%dma_start3A_66 : memref<8xi32, #tpu.memory_space<vmem>>) semaphore(%arg15 : memref<!tpu.dma_semaphore, #tpu.memory_space<semaphore_mem>>)
    %eq3A = arith.constant 0 : i32
    %eq3A_70 = arith.cmpi eq, %arg1, %eq3A : i32
    %convert_element_type3A = arith.extui %eq3A_70 : i1 to i32
    %cond3A = arith.constant 0 : i32
    %cond3A_71 = arith.cmpi ne, %convert_element_type3A, %cond3A : i32
    scf.if %cond3A_71 {
      "tpu.region"() ({
        %run_scoped3A = tpu.sem_alloc : memref<!tpu.dma_semaphore, #tpu.memory_space<semaphore_mem>>
        %dma_start3A_286 = arith.constant 0 : i32
        %dma_start3A_287 = arith.constant 0 : i32
        %dma_start3A_288 = tpu.memref_slice %arg11[%dma_start3A_286, %dma_start3A_287] : memref<64x1024xf32, #tpu.memory_space<vmem_shared>> -> memref<8x1024xf32, #tpu.memory_space<vmem_shared>>
        %dma_start3A_289 = arith.constant 0 : i32
        %dma_start3A_290 = arith.constant 0 : i32
        %dma_start3A_291 = tpu.memref_slice %arg11[%dma_start3A_289, %dma_start3A_290] : memref<64x1024xf32, #tpu.memory_space<vmem_shared>> -> memref<8x1024xf32, #tpu.memory_space<vmem_shared>>
        tpu.enqueue_dma source(%arg10 : memref<8x1024xf32, #tpu.memory_space<vmem>>) target(%dma_start3A_291 : memref<8x1024xf32, #tpu.memory_space<vmem_shared>>) target_semaphore(%run_scoped3A : memref<!tpu.dma_semaphore, #tpu.memory_space<semaphore_mem>>)
        %dma_wait3A_292 = arith.constant 0 : i32
        %dma_wait3A_293 = arith.constant 0 : i32
        %dma_wait3A_294 = tpu.memref_slice %arg11[%dma_wait3A_292, %dma_wait3A_293] : memref<64x1024xf32, #tpu.memory_space<vmem_shared>> -> memref<8x1024xf32, #tpu.memory_space<vmem_shared>>
        %dma_wait3A_295 = arith.constant 0 : i32
        %dma_wait3A_296 = arith.constant 0 : i32
        %dma_wait3A_297 = tpu.memref_slice %arg11[%dma_wait3A_295, %dma_wait3A_296] : memref<64x1024xf32, #tpu.memory_space<vmem_shared>> -> memref<8x1024xf32, #tpu.memory_space<vmem_shared>>
        tpu.wait_dma2 semaphore(%run_scoped3A : memref<!tpu.dma_semaphore, #tpu.memory_space<semaphore_mem>>) src(%arg10 : memref<8x1024xf32, #tpu.memory_space<vmem>>) dst(%dma_wait3A_297 : memref<8x1024xf32, #tpu.memory_space<vmem_shared>>)
        tpu.yield
      }) : () -> ()
      "tpu.region"() ({
        %run_scoped3A = tpu.sem_alloc : memref<!tpu.dma_semaphore, #tpu.memory_space<semaphore_mem>>
        %dma_start3A_286 = arith.constant 8 : i32
        %dma_start3A_287 = arith.constant 0 : i32
        %dma_start3A_288 = tpu.memref_slice %arg11[%dma_start3A_286, %dma_start3A_287] : memref<64x1024xf32, #tpu.memory_space<vmem_shared>> -> memref<8x1024xf32, #tpu.memory_space<vmem_shared>>
        %dma_start3A_289 = arith.constant 8 : i32
        %dma_start3A_290 = arith.constant 0 : i32
        %dma_start3A_291 = tpu.memref_slice %arg11[%dma_start3A_289, %dma_start3A_290] : memref<64x1024xf32, #tpu.memory_space<vmem_shared>> -> memref<8x1024xf32, #tpu.memory_space<vmem_shared>>
        tpu.enqueue_dma source(%arg10 : memref<8x1024xf32, #tpu.memory_space<vmem>>) target(%dma_start3A_291 : memref<8x1024xf32, #tpu.memory_space<vmem_shared>>) target_semaphore(%run_scoped3A : memref<!tpu.dma_semaphore, #tpu.memory_space<semaphore_mem>>)
        %dma_wait3A_292 = arith.constant 8 : i32
        %dma_wait3A_293 = arith.constant 0 : i32
        %dma_wait3A_294 = tpu.memref_slice %arg11[%dma_wait3A_292, %dma_wait3A_293] : memref<64x1024xf32, #tpu.memory_space<vmem_shared>> -> memref<8x1024xf32, #tpu.memory_space<vmem_shared>>
        %dma_wait3A_295 = arith.constant 8 : i32
        %dma_wait3A_296 = arith.constant 0 : i32
        %dma_wait3A_297 = tpu.memref_slice %arg11[%dma_wait3A_295, %dma_wait3A_296] : memref<64x1024xf32, #tpu.memory_space<vmem_shared>> -> memref<8x1024xf32, #tpu.memory_space<vmem_shared>>
        tpu.wait_dma2 semaphore(%run_scoped3A : memref<!tpu.dma_semaphore, #tpu.memory_space<semaphore_mem>>) src(%arg10 : memref<8x1024xf32, #tpu.memory_space<vmem>>) dst(%dma_wait3A_297 : memref<8x1024xf32, #tpu.memory_space<vmem_shared>>)
        tpu.yield
      }) : () -> ()
      "tpu.region"() ({
        %run_scoped3A = tpu.sem_alloc : memref<!tpu.dma_semaphore, #tpu.memory_space<semaphore_mem>>
        %dma_start3A_286 = arith.constant 16 : i32
        %dma_start3A_287 = arith.constant 0 : i32
        %dma_start3A_288 = tpu.memref_slice %arg11[%dma_start3A_286, %dma_start3A_287] : memref<64x1024xf32, #tpu.memory_space<vmem_shared>> -> memref<8x1024xf32, #tpu.memory_space<vmem_shared>>
        %dma_start3A_289 = arith.constant 16 : i32
        %dma_start3A_290 = arith.constant 0 : i32
        %dma_start3A_291 = tpu.memref_slice %arg11[%dma_start3A_289, %dma_start3A_290] : memref<64x1024xf32, #tpu.memory_space<vmem_shared>> -> memref<8x1024xf32, #tpu.memory_space<vmem_shared>>
        tpu.enqueue_dma source(%arg10 : memref<8x1024xf32, #tpu.memory_space<vmem>>) target(%dma_start3A_291 : memref<8x1024xf32, #tpu.memory_space<vmem_shared>>) target_semaphore(%run_scoped3A : memref<!tpu.dma_semaphore, #tpu.memory_space<semaphore_mem>>)
        %dma_wait3A_292 = arith.constant 16 : i32
        %dma_wait3A_293 = arith.constant 0 : i32
        %dma_wait3A_294 = tpu.memref_slice %arg11[%dma_wait3A_292, %dma_wait3A_293] : memref<64x1024xf32, #tpu.memory_space<vmem_shared>> -> memref<8x1024xf32, #tpu.memory_space<vmem_shared>>
        %dma_wait3A_295 = arith.constant 16 : i32
        %dma_wait3A_296 = arith.constant 0 : i32
        %dma_wait3A_297 = tpu.memref_slice %arg11[%dma_wait3A_295, %dma_wait3A_296] : memref<64x1024xf32, #tpu.memory_space<vmem_shared>> -> memref<8x1024xf32, #tpu.memory_space<vmem_shared>>
        tpu.wait_dma2 semaphore(%run_scoped3A : memref<!tpu.dma_semaphore, #tpu.memory_space<semaphore_mem>>) src(%arg10 : memref<8x1024xf32, #tpu.memory_space<vmem>>) dst(%dma_wait3A_297 : memref<8x1024xf32, #tpu.memory_space<vmem_shared>>)
        tpu.yield
      }) : () -> ()
      "tpu.region"() ({
        %run_scoped3A = tpu.sem_alloc : memref<!tpu.dma_semaphore, #tpu.memory_space<semaphore_mem>>
        %dma_start3A_286 = arith.constant 24 : i32
        %dma_start3A_287 = arith.constant 0 : i32
        %dma_start3A_288 = tpu.memref_slice %arg11[%dma_start3A_286, %dma_start3A_287] : memref<64x1024xf32, #tpu.memory_space<vmem_shared>> -> memref<8x1024xf32, #tpu.memory_space<vmem_shared>>
        %dma_start3A_289 = arith.constant 24 : i32
        %dma_start3A_290 = arith.constant 0 : i32
        %dma_start3A_291 = tpu.memref_slice %arg11[%dma_start3A_289, %dma_start3A_290] : memref<64x1024xf32, #tpu.memory_space<vmem_shared>> -> memref<8x1024xf32, #tpu.memory_space<vmem_shared>>
        tpu.enqueue_dma source(%arg10 : memref<8x1024xf32, #tpu.memory_space<vmem>>) target(%dma_start3A_291 : memref<8x1024xf32, #tpu.memory_space<vmem_shared>>) target_semaphore(%run_scoped3A : memref<!tpu.dma_semaphore, #tpu.memory_space<semaphore_mem>>)
        %dma_wait3A_292 = arith.constant 24 : i32
        %dma_wait3A_293 = arith.constant 0 : i32
        %dma_wait3A_294 = tpu.memref_slice %arg11[%dma_wait3A_292, %dma_wait3A_293] : memref<64x1024xf32, #tpu.memory_space<vmem_shared>> -> memref<8x1024xf32, #tpu.memory_space<vmem_shared>>
        %dma_wait3A_295 = arith.constant 24 : i32
        %dma_wait3A_296 = arith.constant 0 : i32
        %dma_wait3A_297 = tpu.memref_slice %arg11[%dma_wait3A_295, %dma_wait3A_296] : memref<64x1024xf32, #tpu.memory_space<vmem_shared>> -> memref<8x1024xf32, #tpu.memory_space<vmem_shared>>
        tpu.wait_dma2 semaphore(%run_scoped3A : memref<!tpu.dma_semaphore, #tpu.memory_space<semaphore_mem>>) src(%arg10 : memref<8x1024xf32, #tpu.memory_space<vmem>>) dst(%dma_wait3A_297 : memref<8x1024xf32, #tpu.memory_space<vmem_shared>>)
        tpu.yield
      }) : () -> ()
      "tpu.region"() ({
        %run_scoped3A = tpu.sem_alloc : memref<!tpu.dma_semaphore, #tpu.memory_space<semaphore_mem>>
        %dma_start3A_286 = arith.constant 32 : i32
        %dma_start3A_287 = arith.constant 0 : i32
        %dma_start3A_288 = tpu.memref_slice %arg11[%dma_start3A_286, %dma_start3A_287] : memref<64x1024xf32, #tpu.memory_space<vmem_shared>> -> memref<8x1024xf32, #tpu.memory_space<vmem_shared>>
        %dma_start3A_289 = arith.constant 32 : i32
        %dma_start3A_290 = arith.constant 0 : i32
        %dma_start3A_291 = tpu.memref_slice %arg11[%dma_start3A_289, %dma_start3A_290] : memref<64x1024xf32, #tpu.memory_space<vmem_shared>> -> memref<8x1024xf32, #tpu.memory_space<vmem_shared>>
        tpu.enqueue_dma source(%arg10 : memref<8x1024xf32, #tpu.memory_space<vmem>>) target(%dma_start3A_291 : memref<8x1024xf32, #tpu.memory_space<vmem_shared>>) target_semaphore(%run_scoped3A : memref<!tpu.dma_semaphore, #tpu.memory_space<semaphore_mem>>)
        %dma_wait3A_292 = arith.constant 32 : i32
        %dma_wait3A_293 = arith.constant 0 : i32
        %dma_wait3A_294 = tpu.memref_slice %arg11[%dma_wait3A_292, %dma_wait3A_293] : memref<64x1024xf32, #tpu.memory_space<vmem_shared>> -> memref<8x1024xf32, #tpu.memory_space<vmem_shared>>
        %dma_wait3A_295 = arith.constant 32 : i32
        %dma_wait3A_296 = arith.constant 0 : i32
        %dma_wait3A_297 = tpu.memref_slice %arg11[%dma_wait3A_295, %dma_wait3A_296] : memref<64x1024xf32, #tpu.memory_space<vmem_shared>> -> memref<8x1024xf32, #tpu.memory_space<vmem_shared>>
        tpu.wait_dma2 semaphore(%run_scoped3A : memref<!tpu.dma_semaphore, #tpu.memory_space<semaphore_mem>>) src(%arg10 : memref<8x1024xf32, #tpu.memory_space<vmem>>) dst(%dma_wait3A_297 : memref<8x1024xf32, #tpu.memory_space<vmem_shared>>)
        tpu.yield
      }) : () -> ()
      "tpu.region"() ({
        %run_scoped3A = tpu.sem_alloc : memref<!tpu.dma_semaphore, #tpu.memory_space<semaphore_mem>>
        %dma_start3A_286 = arith.constant 40 : i32
        %dma_start3A_287 = arith.constant 0 : i32
        %dma_start3A_288 = tpu.memref_slice %arg11[%dma_start3A_286, %dma_start3A_287] : memref<64x1024xf32, #tpu.memory_space<vmem_shared>> -> memref<8x1024xf32, #tpu.memory_space<vmem_shared>>
        %dma_start3A_289 = arith.constant 40 : i32
        %dma_start3A_290 = arith.constant 0 : i32
        %dma_start3A_291 = tpu.memref_slice %arg11[%dma_start3A_289, %dma_start3A_290] : memref<64x1024xf32, #tpu.memory_space<vmem_shared>> -> memref<8x1024xf32, #tpu.memory_space<vmem_shared>>
        tpu.enqueue_dma source(%arg10 : memref<8x1024xf32, #tpu.memory_space<vmem>>) target(%dma_start3A_291 : memref<8x1024xf32, #tpu.memory_space<vmem_shared>>) target_semaphore(%run_scoped3A : memref<!tpu.dma_semaphore, #tpu.memory_space<semaphore_mem>>)
        %dma_wait3A_292 = arith.constant 40 : i32
        %dma_wait3A_293 = arith.constant 0 : i32
        %dma_wait3A_294 = tpu.memref_slice %arg11[%dma_wait3A_292, %dma_wait3A_293] : memref<64x1024xf32, #tpu.memory_space<vmem_shared>> -> memref<8x1024xf32, #tpu.memory_space<vmem_shared>>
        %dma_wait3A_295 = arith.constant 40 : i32
        %dma_wait3A_296 = arith.constant 0 : i32
        %dma_wait3A_297 = tpu.memref_slice %arg11[%dma_wait3A_295, %dma_wait3A_296] : memref<64x1024xf32, #tpu.memory_space<vmem_shared>> -> memref<8x1024xf32, #tpu.memory_space<vmem_shared>>
        tpu.wait_dma2 semaphore(%run_scoped3A : memref<!tpu.dma_semaphore, #tpu.memory_space<semaphore_mem>>) src(%arg10 : memref<8x1024xf32, #tpu.memory_space<vmem>>) dst(%dma_wait3A_297 : memref<8x1024xf32, #tpu.memory_space<vmem_shared>>)
        tpu.yield
      }) : () -> ()
      "tpu.region"() ({
        %run_scoped3A = tpu.sem_alloc : memref<!tpu.dma_semaphore, #tpu.memory_space<semaphore_mem>>
        %dma_start3A_286 = arith.constant 48 : i32
        %dma_start3A_287 = arith.constant 0 : i32
        %dma_start3A_288 = tpu.memref_slice %arg11[%dma_start3A_286, %dma_start3A_287] : memref<64x1024xf32, #tpu.memory_space<vmem_shared>> -> memref<8x1024xf32, #tpu.memory_space<vmem_shared>>
        %dma_start3A_289 = arith.constant 48 : i32
        %dma_start3A_290 = arith.constant 0 : i32
        %dma_start3A_291 = tpu.memref_slice %arg11[%dma_start3A_289, %dma_start3A_290] : memref<64x1024xf32, #tpu.memory_space<vmem_shared>> -> memref<8x1024xf32, #tpu.memory_space<vmem_shared>>
        tpu.enqueue_dma source(%arg10 : memref<8x1024xf32, #tpu.memory_space<vmem>>) target(%dma_start3A_291 : memref<8x1024xf32, #tpu.memory_space<vmem_shared>>) target_semaphore(%run_scoped3A : memref<!tpu.dma_semaphore, #tpu.memory_space<semaphore_mem>>)
        %dma_wait3A_292 = arith.constant 48 : i32
        %dma_wait3A_293 = arith.constant 0 : i32
        %dma_wait3A_294 = tpu.memref_slice %arg11[%dma_wait3A_292, %dma_wait3A_293] : memref<64x1024xf32, #tpu.memory_space<vmem_shared>> -> memref<8x1024xf32, #tpu.memory_space<vmem_shared>>
        %dma_wait3A_295 = arith.constant 48 : i32
        %dma_wait3A_296 = arith.constant 0 : i32
        %dma_wait3A_297 = tpu.memref_slice %arg11[%dma_wait3A_295, %dma_wait3A_296] : memref<64x1024xf32, #tpu.memory_space<vmem_shared>> -> memref<8x1024xf32, #tpu.memory_space<vmem_shared>>
        tpu.wait_dma2 semaphore(%run_scoped3A : memref<!tpu.dma_semaphore, #tpu.memory_space<semaphore_mem>>) src(%arg10 : memref<8x1024xf32, #tpu.memory_space<vmem>>) dst(%dma_wait3A_297 : memref<8x1024xf32, #tpu.memory_space<vmem_shared>>)
        tpu.yield
      }) : () -> ()
      "tpu.region"() ({
        %run_scoped3A = tpu.sem_alloc : memref<!tpu.dma_semaphore, #tpu.memory_space<semaphore_mem>>
        %dma_start3A_286 = arith.constant 56 : i32
        %dma_start3A_287 = arith.constant 0 : i32
        %dma_start3A_288 = tpu.memref_slice %arg11[%dma_start3A_286, %dma_start3A_287] : memref<64x1024xf32, #tpu.memory_space<vmem_shared>> -> memref<8x1024xf32, #tpu.memory_space<vmem_shared>>
        %dma_start3A_289 = arith.constant 56 : i32
        %dma_start3A_290 = arith.constant 0 : i32
        %dma_start3A_291 = tpu.memref_slice %arg11[%dma_start3A_289, %dma_start3A_290] : memref<64x1024xf32, #tpu.memory_space<vmem_shared>> -> memref<8x1024xf32, #tpu.memory_space<vmem_shared>>
        tpu.enqueue_dma source(%arg10 : memref<8x1024xf32, #tpu.memory_space<vmem>>) target(%dma_start3A_291 : memref<8x1024xf32, #tpu.memory_space<vmem_shared>>) target_semaphore(%run_scoped3A : memref<!tpu.dma_semaphore, #tpu.memory_space<semaphore_mem>>)
        %dma_wait3A_292 = arith.constant 56 : i32
        %dma_wait3A_293 = arith.constant 0 : i32
        %dma_wait3A_294 = tpu.memref_slice %arg11[%dma_wait3A_292, %dma_wait3A_293] : memref<64x1024xf32, #tpu.memory_space<vmem_shared>> -> memref<8x1024xf32, #tpu.memory_space<vmem_shared>>
        %dma_wait3A_295 = arith.constant 56 : i32
        %dma_wait3A_296 = arith.constant 0 : i32
        %dma_wait3A_297 = tpu.memref_slice %arg11[%dma_wait3A_295, %dma_wait3A_296] : memref<64x1024xf32, #tpu.memory_space<vmem_shared>> -> memref<8x1024xf32, #tpu.memory_space<vmem_shared>>
        tpu.wait_dma2 semaphore(%run_scoped3A : memref<!tpu.dma_semaphore, #tpu.memory_space<semaphore_mem>>) src(%arg10 : memref<8x1024xf32, #tpu.memory_space<vmem>>) dst(%dma_wait3A_297 : memref<8x1024xf32, #tpu.memory_space<vmem_shared>>)
        tpu.yield
      }) : () -> ()
    } else {
    }
    %dma_start3A_72 = arith.constant 0 : i32
    %dma_start3A_73 = arith.constant 0 : i32
    %dma_start3A_74 = tpu.memref_slice %arg7[%dma_start3A_72, %dma_start3A_73] : memref<2x104xi32, #tpu.memory_space<vmem>> -> memref<1x104xi32, #tpu.memory_space<vmem>>
    %dma_start3A_75 = tpu.memref_squeeze %dma_start3A_74 : memref<1x104xi32, #tpu.memory_space<vmem>> -> memref<104xi32, #tpu.memory_space<vmem>>
    %dma_start3A_76 = arith.constant 0 : i32
    %dma_start3A_77 = arith.constant 0 : i32
    %dma_start3A_78 = tpu.memref_slice %arg2[%dma_start3A_76, %dma_start3A_77] : memref<16384x1024xf32, #tpu.memory_space<hbm>> -> memref<16384x1024xf32, #tpu.memory_space<hbm>>
    tpu.enqueue_indirect_dma source(%dma_start3A_78 : memref<16384x1024xf32, #tpu.memory_space<hbm>>) target(%arg9 : memref<104x1024xf32, #tpu.memory_space<vmem>>) offsets(%dma_start3A_75 : memref<104xi32, #tpu.memory_space<vmem>>) semaphore(%arg13 : memref<!tpu.dma_semaphore, #tpu.memory_space<semaphore_mem>>)
    %dma_wait3A = arith.constant 0 : i32
    %dma_wait3A_79 = arith.constant 0 : i32
    %dma_wait3A_80 = tpu.memref_slice %arg7[%dma_wait3A, %dma_wait3A_79] : memref<2x104xi32, #tpu.memory_space<vmem>> -> memref<1x104xi32, #tpu.memory_space<vmem>>
    %dma_wait3A_81 = tpu.memref_squeeze %dma_wait3A_80 : memref<1x104xi32, #tpu.memory_space<vmem>> -> memref<104xi32, #tpu.memory_space<vmem>>
    %dma_wait3A_82 = arith.constant 0 : i32
    %dma_wait3A_83 = arith.constant 0 : i32
    %dma_wait3A_84 = tpu.memref_slice %arg2[%dma_wait3A_82, %dma_wait3A_83] : memref<16384x1024xf32, #tpu.memory_space<hbm>> -> memref<16384x1024xf32, #tpu.memory_space<hbm>>
    tpu.wait_indirect_dma semaphore(%arg13 : memref<!tpu.dma_semaphore, #tpu.memory_space<semaphore_mem>>) src(%dma_wait3A_84 : memref<16384x1024xf32, #tpu.memory_space<hbm>>) dst(%arg9 : memref<104x1024xf32, #tpu.memory_space<vmem>>)
    %dma_start3A_85 = arith.constant 0 : i32
    %dma_start3A_86 = arith.constant 0 : i32
    %dma_start3A_87 = tpu.memref_slice %arg7[%dma_start3A_85, %dma_start3A_86] : memref<2x104xi32, #tpu.memory_space<vmem>> -> memref<1x104xi32, #tpu.memory_space<vmem>>
    %dma_start3A_88 = tpu.memref_squeeze %dma_start3A_87 : memref<1x104xi32, #tpu.memory_space<vmem>> -> memref<104xi32, #tpu.memory_space<vmem>>
    %dma_start3A_89 = arith.constant 0 : i32
    %dma_start3A_90 = arith.constant 0 : i32
    %dma_start3A_91 = tpu.memref_slice %arg6[%dma_start3A_89, %dma_start3A_90] : memref<16384x1024xf32, #tpu.memory_space<hbm>> -> memref<16384x1024xf32, #tpu.memory_space<hbm>>
    tpu.enqueue_indirect_dma source(%arg9 : memref<104x1024xf32, #tpu.memory_space<vmem>>) target(%dma_start3A_91 : memref<16384x1024xf32, #tpu.memory_space<hbm>>) offsets(%dma_start3A_88 : memref<104xi32, #tpu.memory_space<vmem>>) semaphore(%arg14 : memref<!tpu.dma_semaphore, #tpu.memory_space<semaphore_mem>>)
    %dma_wait3A_92 = arith.constant 0 : i32
    %dma_wait3A_93 = arith.constant 0 : i32
    %dma_wait3A_94 = tpu.memref_slice %arg7[%dma_wait3A_92, %dma_wait3A_93] : memref<2x104xi32, #tpu.memory_space<vmem>> -> memref<1x104xi32, #tpu.memory_space<vmem>>
    %dma_wait3A_95 = tpu.memref_squeeze %dma_wait3A_94 : memref<1x104xi32, #tpu.memory_space<vmem>> -> memref<104xi32, #tpu.memory_space<vmem>>
    %dma_wait3A_96 = arith.constant 0 : i32
    %dma_wait3A_97 = arith.constant 0 : i32
    %dma_wait3A_98 = tpu.memref_slice %arg6[%dma_wait3A_96, %dma_wait3A_97] : memref<16384x1024xf32, #tpu.memory_space<hbm>> -> memref<16384x1024xf32, #tpu.memory_space<hbm>>
    tpu.wait_indirect_dma semaphore(%arg14 : memref<!tpu.dma_semaphore, #tpu.memory_space<semaphore_mem>>) src(%arg9 : memref<104x1024xf32, #tpu.memory_space<vmem>>) dst(%dma_wait3A_98 : memref<16384x1024xf32, #tpu.memory_space<hbm>>)
    %dma_start3A_99 = arith.constant 1 : i32
    %dma_start3A_100 = arith.constant 0 : i32
    %dma_start3A_101 = tpu.memref_slice %arg7[%dma_start3A_99, %dma_start3A_100] : memref<2x104xi32, #tpu.memory_space<vmem>> -> memref<1x104xi32, #tpu.memory_space<vmem>>
    %dma_start3A_102 = tpu.memref_squeeze %dma_start3A_101 : memref<1x104xi32, #tpu.memory_space<vmem>> -> memref<104xi32, #tpu.memory_space<vmem>>
    %dma_start3A_103 = arith.constant 0 : i32
    %dma_start3A_104 = arith.constant 0 : i32
    %dma_start3A_105 = tpu.memref_slice %arg2[%dma_start3A_103, %dma_start3A_104] : memref<16384x1024xf32, #tpu.memory_space<hbm>> -> memref<16384x1024xf32, #tpu.memory_space<hbm>>
    tpu.enqueue_indirect_dma source(%dma_start3A_105 : memref<16384x1024xf32, #tpu.memory_space<hbm>>) target(%arg9 : memref<104x1024xf32, #tpu.memory_space<vmem>>) offsets(%dma_start3A_102 : memref<104xi32, #tpu.memory_space<vmem>>) semaphore(%arg13 : memref<!tpu.dma_semaphore, #tpu.memory_space<semaphore_mem>>)
    %dma_wait3A_106 = arith.constant 1 : i32
    %dma_wait3A_107 = arith.constant 0 : i32
    %dma_wait3A_108 = tpu.memref_slice %arg7[%dma_wait3A_106, %dma_wait3A_107] : memref<2x104xi32, #tpu.memory_space<vmem>> -> memref<1x104xi32, #tpu.memory_space<vmem>>
    %dma_wait3A_109 = tpu.memref_squeeze %dma_wait3A_108 : memref<1x104xi32, #tpu.memory_space<vmem>> -> memref<104xi32, #tpu.memory_space<vmem>>
    %dma_wait3A_110 = arith.constant 0 : i32
    %dma_wait3A_111 = arith.constant 0 : i32
    %dma_wait3A_112 = tpu.memref_slice %arg2[%dma_wait3A_110, %dma_wait3A_111] : memref<16384x1024xf32, #tpu.memory_space<hbm>> -> memref<16384x1024xf32, #tpu.memory_space<hbm>>
    tpu.wait_indirect_dma semaphore(%arg13 : memref<!tpu.dma_semaphore, #tpu.memory_space<semaphore_mem>>) src(%dma_wait3A_112 : memref<16384x1024xf32, #tpu.memory_space<hbm>>) dst(%arg9 : memref<104x1024xf32, #tpu.memory_space<vmem>>)
    %dma_start3A_113 = arith.constant 1 : i32
    %dma_start3A_114 = arith.constant 0 : i32
    %dma_start3A_115 = tpu.memref_slice %arg7[%dma_start3A_113, %dma_start3A_114] : memref<2x104xi32, #tpu.memory_space<vmem>> -> memref<1x104xi32, #tpu.memory_space<vmem>>
    %dma_start3A_116 = tpu.memref_squeeze %dma_start3A_115 : memref<1x104xi32, #tpu.memory_space<vmem>> -> memref<104xi32, #tpu.memory_space<vmem>>
    %dma_start3A_117 = arith.constant 0 : i32
    %dma_start3A_118 = arith.constant 0 : i32
    %dma_start3A_119 = tpu.memref_slice %arg6[%dma_start3A_117, %dma_start3A_118] : memref<16384x1024xf32, #tpu.memory_space<hbm>> -> memref<16384x1024xf32, #tpu.memory_space<hbm>>
    tpu.enqueue_indirect_dma source(%arg9 : memref<104x1024xf32, #tpu.memory_space<vmem>>) target(%dma_start3A_119 : memref<16384x1024xf32, #tpu.memory_space<hbm>>) offsets(%dma_start3A_116 : memref<104xi32, #tpu.memory_space<vmem>>) semaphore(%arg14 : memref<!tpu.dma_semaphore, #tpu.memory_space<semaphore_mem>>)
    %dma_wait3A_120 = arith.constant 1 : i32
    %dma_wait3A_121 = arith.constant 0 : i32
    %dma_wait3A_122 = tpu.memref_slice %arg7[%dma_wait3A_120, %dma_wait3A_121] : memref<2x104xi32, #tpu.memory_space<vmem>> -> memref<1x104xi32, #tpu.memory_space<vmem>>
    %dma_wait3A_123 = tpu.memref_squeeze %dma_wait3A_122 : memref<1x104xi32, #tpu.memory_space<vmem>> -> memref<104xi32, #tpu.memory_space<vmem>>
    %dma_wait3A_124 = arith.constant 0 : i32
    %dma_wait3A_125 = arith.constant 0 : i32
    %dma_wait3A_126 = tpu.memref_slice %arg6[%dma_wait3A_124, %dma_wait3A_125] : memref<16384x1024xf32, #tpu.memory_space<hbm>> -> memref<16384x1024xf32, #tpu.memory_space<hbm>>
    tpu.wait_indirect_dma semaphore(%arg14 : memref<!tpu.dma_semaphore, #tpu.memory_space<semaphore_mem>>) src(%arg9 : memref<104x1024xf32, #tpu.memory_space<vmem>>) dst(%dma_wait3A_126 : memref<16384x1024xf32, #tpu.memory_space<hbm>>)
    %barrier3A = arith.constant 0 : index
    tpu.barrier barrier_id(%barrier3A)
    %mul3A_127 = arith.constant 80 : i32
    %mul3A_128 = arith.muli %add3A, %mul3A_127 : i32
    %min3A = arith.constant 2368 : i32
    %min3A_129 = arith.minsi %mul3A_128, %min3A : i32
    %add3A_130 = arith.constant 1624 : i32
    %add3A_131 = arith.addi %add3A_130, %min3A_129 : i32
    %add3A_132 = arith.constant 0 : i32
    %add3A_133 = arith.addi %add3A_131, %add3A_132 : i32
    %dma_start3A_134 = arith.constant 0 : i32
    %dma_start3A_135 = tpu.memref_slice %arg6[%add3A_133, %dma_start3A_134] : memref<16384x1024xf32, #tpu.memory_space<hbm>> -> memref<64x1024xf32, #tpu.memory_space<hbm>>
    %dma_start3A_136 = arith.constant 0 : i32
    %dma_start3A_137 = arith.constant 0 : i32
    %dma_start3A_138 = tpu.memref_slice %arg11[%dma_start3A_136, %dma_start3A_137] : memref<64x1024xf32, #tpu.memory_space<vmem_shared>> -> memref<64x1024xf32, #tpu.memory_space<vmem_shared>>
    tpu.enqueue_dma source(%dma_start3A_138 : memref<64x1024xf32, #tpu.memory_space<vmem_shared>>) target(%dma_start3A_135 : memref<64x1024xf32, #tpu.memory_space<hbm>>) target_semaphore(%arg12 : memref<!tpu.dma_semaphore, #tpu.memory_space<semaphore_mem>>)
    %add3A_139 = arith.constant 64 : i32
    %add3A_140 = arith.addi %add3A_131, %add3A_139 : i32
    %dma_start3A_141 = arith.constant 0 : i32
    %dma_start3A_142 = tpu.memref_slice %arg6[%add3A_140, %dma_start3A_141] : memref<16384x1024xf32, #tpu.memory_space<hbm>> -> memref<16x1024xf32, #tpu.memory_space<hbm>>
    %dma_start3A_143 = arith.constant 0 : i32
    %dma_start3A_144 = arith.constant 0 : i32
    %dma_start3A_145 = tpu.memref_slice %arg11[%dma_start3A_143, %dma_start3A_144] : memref<64x1024xf32, #tpu.memory_space<vmem_shared>> -> memref<16x1024xf32, #tpu.memory_space<vmem_shared>>
    tpu.enqueue_dma source(%dma_start3A_145 : memref<16x1024xf32, #tpu.memory_space<vmem_shared>>) target(%dma_start3A_142 : memref<16x1024xf32, #tpu.memory_space<hbm>>) target_semaphore(%arg12 : memref<!tpu.dma_semaphore, #tpu.memory_space<semaphore_mem>>)
    %mul3A_146 = arith.constant 80 : i32
    %mul3A_147 = arith.muli %add3A, %mul3A_146 : i32
    %min3A_148 = arith.constant 2368 : i32
    %min3A_149 = arith.minsi %mul3A_147, %min3A_148 : i32
    %add3A_150 = arith.constant 9224 : i32
    %add3A_151 = arith.addi %add3A_150, %min3A_149 : i32
    %add3A_152 = arith.constant 0 : i32
    %add3A_153 = arith.addi %add3A_151, %add3A_152 : i32
    %dma_start3A_154 = arith.constant 0 : i32
    %dma_start3A_155 = tpu.memref_slice %arg6[%add3A_153, %dma_start3A_154] : memref<16384x1024xf32, #tpu.memory_space<hbm>> -> memref<64x1024xf32, #tpu.memory_space<hbm>>
    %dma_start3A_156 = arith.constant 0 : i32
    %dma_start3A_157 = arith.constant 0 : i32
    %dma_start3A_158 = tpu.memref_slice %arg11[%dma_start3A_156, %dma_start3A_157] : memref<64x1024xf32, #tpu.memory_space<vmem_shared>> -> memref<64x1024xf32, #tpu.memory_space<vmem_shared>>
    tpu.enqueue_dma source(%dma_start3A_158 : memref<64x1024xf32, #tpu.memory_space<vmem_shared>>) target(%dma_start3A_155 : memref<64x1024xf32, #tpu.memory_space<hbm>>) target_semaphore(%arg12 : memref<!tpu.dma_semaphore, #tpu.memory_space<semaphore_mem>>)
    %add3A_159 = arith.constant 64 : i32
    %add3A_160 = arith.addi %add3A_151, %add3A_159 : i32
    %dma_start3A_161 = arith.constant 0 : i32
    %dma_start3A_162 = tpu.memref_slice %arg6[%add3A_160, %dma_start3A_161] : memref<16384x1024xf32, #tpu.memory_space<hbm>> -> memref<16x1024xf32, #tpu.memory_space<hbm>>
    %dma_start3A_163 = arith.constant 0 : i32
    %dma_start3A_164 = arith.constant 0 : i32
    %dma_start3A_165 = tpu.memref_slice %arg11[%dma_start3A_163, %dma_start3A_164] : memref<64x1024xf32, #tpu.memory_space<vmem_shared>> -> memref<16x1024xf32, #tpu.memory_space<vmem_shared>>
    tpu.enqueue_dma source(%dma_start3A_165 : memref<16x1024xf32, #tpu.memory_space<vmem_shared>>) target(%dma_start3A_162 : memref<16x1024xf32, #tpu.memory_space<hbm>>) target_semaphore(%arg12 : memref<!tpu.dma_semaphore, #tpu.memory_space<semaphore_mem>>)
    %mul3A_166 = arith.constant 80 : i32
    %mul3A_167 = arith.muli %add3A, %mul3A_166 : i32
    %min3A_168 = arith.constant 2376 : i32
    %min3A_169 = arith.minsi %mul3A_167, %min3A_168 : i32
    %add3A_170 = arith.constant 13448 : i32
    %add3A_171 = arith.addi %add3A_170, %min3A_169 : i32
    %add3A_172 = arith.constant 0 : i32
    %add3A_173 = arith.addi %add3A_171, %add3A_172 : i32
    %dma_start3A_174 = arith.constant 0 : i32
    %dma_start3A_175 = tpu.memref_slice %arg6[%add3A_173, %dma_start3A_174] : memref<16384x1024xf32, #tpu.memory_space<hbm>> -> memref<64x1024xf32, #tpu.memory_space<hbm>>
    %dma_start3A_176 = arith.constant 0 : i32
    %dma_start3A_177 = arith.constant 0 : i32
    %dma_start3A_178 = tpu.memref_slice %arg11[%dma_start3A_176, %dma_start3A_177] : memref<64x1024xf32, #tpu.memory_space<vmem_shared>> -> memref<64x1024xf32, #tpu.memory_space<vmem_shared>>
    tpu.enqueue_dma source(%dma_start3A_178 : memref<64x1024xf32, #tpu.memory_space<vmem_shared>>) target(%dma_start3A_175 : memref<64x1024xf32, #tpu.memory_space<hbm>>) target_semaphore(%arg12 : memref<!tpu.dma_semaphore, #tpu.memory_space<semaphore_mem>>)
    %add3A_179 = arith.constant 64 : i32
    %add3A_180 = arith.addi %add3A_171, %add3A_179 : i32
    %dma_start3A_181 = arith.constant 0 : i32
    %dma_start3A_182 = tpu.memref_slice %arg6[%add3A_180, %dma_start3A_181] : memref<16384x1024xf32, #tpu.memory_space<hbm>> -> memref<16x1024xf32, #tpu.memory_space<hbm>>
    %dma_start3A_183 = arith.constant 0 : i32
    %dma_start3A_184 = arith.constant 0 : i32
    %dma_start3A_185 = tpu.memref_slice %arg11[%dma_start3A_183, %dma_start3A_184] : memref<64x1024xf32, #tpu.memory_space<vmem_shared>> -> memref<16x1024xf32, #tpu.memory_space<vmem_shared>>
    tpu.enqueue_dma source(%dma_start3A_185 : memref<16x1024xf32, #tpu.memory_space<vmem_shared>>) target(%dma_start3A_182 : memref<16x1024xf32, #tpu.memory_space<hbm>>) target_semaphore(%arg12 : memref<!tpu.dma_semaphore, #tpu.memory_space<semaphore_mem>>)
    %dma_wait3A_186 = arith.constant 0 : i32
    %dma_wait3A_187 = tpu.memref_slice %arg6[%add3A_133, %dma_wait3A_186] : memref<16384x1024xf32, #tpu.memory_space<hbm>> -> memref<64x1024xf32, #tpu.memory_space<hbm>>
    %dma_wait3A_188 = arith.constant 0 : i32
    %dma_wait3A_189 = arith.constant 0 : i32
    %dma_wait3A_190 = tpu.memref_slice %arg11[%dma_wait3A_188, %dma_wait3A_189] : memref<64x1024xf32, #tpu.memory_space<vmem_shared>> -> memref<64x1024xf32, #tpu.memory_space<vmem_shared>>
    tpu.wait_dma2 semaphore(%arg12 : memref<!tpu.dma_semaphore, #tpu.memory_space<semaphore_mem>>) src(%dma_wait3A_190 : memref<64x1024xf32, #tpu.memory_space<vmem_shared>>) dst(%dma_wait3A_187 : memref<64x1024xf32, #tpu.memory_space<hbm>>)
    %dma_wait3A_191 = arith.constant 0 : i32
    %dma_wait3A_192 = tpu.memref_slice %arg6[%add3A_140, %dma_wait3A_191] : memref<16384x1024xf32, #tpu.memory_space<hbm>> -> memref<16x1024xf32, #tpu.memory_space<hbm>>
    %dma_wait3A_193 = arith.constant 0 : i32
    %dma_wait3A_194 = arith.constant 0 : i32
    %dma_wait3A_195 = tpu.memref_slice %arg11[%dma_wait3A_193, %dma_wait3A_194] : memref<64x1024xf32, #tpu.memory_space<vmem_shared>> -> memref<16x1024xf32, #tpu.memory_space<vmem_shared>>
    tpu.wait_dma2 semaphore(%arg12 : memref<!tpu.dma_semaphore, #tpu.memory_space<semaphore_mem>>) src(%dma_wait3A_195 : memref<16x1024xf32, #tpu.memory_space<vmem_shared>>) dst(%dma_wait3A_192 : memref<16x1024xf32, #tpu.memory_space<hbm>>)
    %dma_wait3A_196 = arith.constant 0 : i32
    %dma_wait3A_197 = tpu.memref_slice %arg6[%add3A_153, %dma_wait3A_196] : memref<16384x1024xf32, #tpu.memory_space<hbm>> -> memref<64x1024xf32, #tpu.memory_space<hbm>>
    %dma_wait3A_198 = arith.constant 0 : i32
    %dma_wait3A_199 = arith.constant 0 : i32
    %dma_wait3A_200 = tpu.memref_slice %arg11[%dma_wait3A_198, %dma_wait3A_199] : memref<64x1024xf32, #tpu.memory_space<vmem_shared>> -> memref<64x1024xf32, #tpu.memory_space<vmem_shared>>
    tpu.wait_dma2 semaphore(%arg12 : memref<!tpu.dma_semaphore, #tpu.memory_space<semaphore_mem>>) src(%dma_wait3A_200 : memref<64x1024xf32, #tpu.memory_space<vmem_shared>>) dst(%dma_wait3A_197 : memref<64x1024xf32, #tpu.memory_space<hbm>>)
    %dma_wait3A_201 = arith.constant 0 : i32
    %dma_wait3A_202 = tpu.memref_slice %arg6[%add3A_160, %dma_wait3A_201] : memref<16384x1024xf32, #tpu.memory_space<hbm>> -> memref<16x1024xf32, #tpu.memory_space<hbm>>
    %dma_wait3A_203 = arith.constant 0 : i32
    %dma_wait3A_204 = arith.constant 0 : i32
    %dma_wait3A_205 = tpu.memref_slice %arg11[%dma_wait3A_203, %dma_wait3A_204] : memref<64x1024xf32, #tpu.memory_space<vmem_shared>> -> memref<16x1024xf32, #tpu.memory_space<vmem_shared>>
    tpu.wait_dma2 semaphore(%arg12 : memref<!tpu.dma_semaphore, #tpu.memory_space<semaphore_mem>>) src(%dma_wait3A_205 : memref<16x1024xf32, #tpu.memory_space<vmem_shared>>) dst(%dma_wait3A_202 : memref<16x1024xf32, #tpu.memory_space<hbm>>)
    %dma_wait3A_206 = arith.constant 0 : i32
    %dma_wait3A_207 = tpu.memref_slice %arg6[%add3A_173, %dma_wait3A_206] : memref<16384x1024xf32, #tpu.memory_space<hbm>> -> memref<64x1024xf32, #tpu.memory_space<hbm>>
    %dma_wait3A_208 = arith.constant 0 : i32
    %dma_wait3A_209 = arith.constant 0 : i32
    %dma_wait3A_210 = tpu.memref_slice %arg11[%dma_wait3A_208, %dma_wait3A_209] : memref<64x1024xf32, #tpu.memory_space<vmem_shared>> -> memref<64x1024xf32, #tpu.memory_space<vmem_shared>>
    tpu.wait_dma2 semaphore(%arg12 : memref<!tpu.dma_semaphore, #tpu.memory_space<semaphore_mem>>) src(%dma_wait3A_210 : memref<64x1024xf32, #tpu.memory_space<vmem_shared>>) dst(%dma_wait3A_207 : memref<64x1024xf32, #tpu.memory_space<hbm>>)
    %dma_wait3A_211 = arith.constant 0 : i32
    %dma_wait3A_212 = tpu.memref_slice %arg6[%add3A_180, %dma_wait3A_211] : memref<16384x1024xf32, #tpu.memory_space<hbm>> -> memref<16x1024xf32, #tpu.memory_space<hbm>>
    %dma_wait3A_213 = arith.constant 0 : i32
    %dma_wait3A_214 = arith.constant 0 : i32
    %dma_wait3A_215 = tpu.memref_slice %arg11[%dma_wait3A_213, %dma_wait3A_214] : memref<64x1024xf32, #tpu.memory_space<vmem_shared>> -> memref<16x1024xf32, #tpu.memory_space<vmem_shared>>
    tpu.wait_dma2 semaphore(%arg12 : memref<!tpu.dma_semaphore, #tpu.memory_space<semaphore_mem>>) src(%dma_wait3A_215 : memref<16x1024xf32, #tpu.memory_space<vmem_shared>>) dst(%dma_wait3A_212 : memref<16x1024xf32, #tpu.memory_space<hbm>>)
    %dma_wait3A_216 = arith.constant 0 : i32
    %dma_wait3A_217 = arith.constant 0 : i32
    %dma_wait3A_218 = tpu.memref_slice %arg8[%dma_wait3A_216, %dma_wait3A_217] : memref<10x8xi32, #tpu.memory_space<vmem>> -> memref<1x8xi32, #tpu.memory_space<vmem>>
    %dma_wait3A_219 = tpu.memref_squeeze %dma_wait3A_218 : memref<1x8xi32, #tpu.memory_space<vmem>> -> memref<8xi32, #tpu.memory_space<vmem>>
    %dma_wait3A_220 = arith.constant 0 : i32
    %dma_wait3A_221 = arith.constant 0 : i32
    %dma_wait3A_222 = tpu.memref_slice %arg6[%dma_wait3A_220, %dma_wait3A_221] : memref<16384x1024xf32, #tpu.memory_space<hbm>> -> memref<16384x1024xf32, #tpu.memory_space<hbm>>
    tpu.wait_indirect_dma semaphore(%arg15 : memref<!tpu.dma_semaphore, #tpu.memory_space<semaphore_mem>>) src(%arg10 : memref<8x1024xf32, #tpu.memory_space<vmem>>) dst(%dma_wait3A_222 : memref<16384x1024xf32, #tpu.memory_space<hbm>>)
    %dma_wait3A_223 = arith.constant 1 : i32
    %dma_wait3A_224 = arith.constant 0 : i32
    %dma_wait3A_225 = tpu.memref_slice %arg8[%dma_wait3A_223, %dma_wait3A_224] : memref<10x8xi32, #tpu.memory_space<vmem>> -> memref<1x8xi32, #tpu.memory_space<vmem>>
    %dma_wait3A_226 = tpu.memref_squeeze %dma_wait3A_225 : memref<1x8xi32, #tpu.memory_space<vmem>> -> memref<8xi32, #tpu.memory_space<vmem>>
    %dma_wait3A_227 = arith.constant 0 : i32
    %dma_wait3A_228 = arith.constant 0 : i32
    %dma_wait3A_229 = tpu.memref_slice %arg6[%dma_wait3A_227, %dma_wait3A_228] : memref<16384x1024xf32, #tpu.memory_space<hbm>> -> memref<16384x1024xf32, #tpu.memory_space<hbm>>
    tpu.wait_indirect_dma semaphore(%arg15 : memref<!tpu.dma_semaphore, #tpu.memory_space<semaphore_mem>>) src(%arg10 : memref<8x1024xf32, #tpu.memory_space<vmem>>) dst(%dma_wait3A_229 : memref<16384x1024xf32, #tpu.memory_space<hbm>>)
    %dma_wait3A_230 = arith.constant 2 : i32
    %dma_wait3A_231 = arith.constant 0 : i32
    %dma_wait3A_232 = tpu.memref_slice %arg8[%dma_wait3A_230, %dma_wait3A_231] : memref<10x8xi32, #tpu.memory_space<vmem>> -> memref<1x8xi32, #tpu.memory_space<vmem>>
    %dma_wait3A_233 = tpu.memref_squeeze %dma_wait3A_232 : memref<1x8xi32, #tpu.memory_space<vmem>> -> memref<8xi32, #tpu.memory_space<vmem>>
    %dma_wait3A_234 = arith.constant 0 : i32
    %dma_wait3A_235 = arith.constant 0 : i32
    %dma_wait3A_236 = tpu.memref_slice %arg6[%dma_wait3A_234, %dma_wait3A_235] : memref<16384x1024xf32, #tpu.memory_space<hbm>> -> memref<16384x1024xf32, #tpu.memory_space<hbm>>
    tpu.wait_indirect_dma semaphore(%arg15 : memref<!tpu.dma_semaphore, #tpu.memory_space<semaphore_mem>>) src(%arg10 : memref<8x1024xf32, #tpu.memory_space<vmem>>) dst(%dma_wait3A_236 : memref<16384x1024xf32, #tpu.memory_space<hbm>>)
    %dma_wait3A_237 = arith.constant 3 : i32
    %dma_wait3A_238 = arith.constant 0 : i32
    %dma_wait3A_239 = tpu.memref_slice %arg8[%dma_wait3A_237, %dma_wait3A_238] : memref<10x8xi32, #tpu.memory_space<vmem>> -> memref<1x8xi32, #tpu.memory_space<vmem>>
    %dma_wait3A_240 = tpu.memref_squeeze %dma_wait3A_239 : memref<1x8xi32, #tpu.memory_space<vmem>> -> memref<8xi32, #tpu.memory_space<vmem>>
    %dma_wait3A_241 = arith.constant 0 : i32
    %dma_wait3A_242 = arith.constant 0 : i32
    %dma_wait3A_243 = tpu.memref_slice %arg6[%dma_wait3A_241, %dma_wait3A_242] : memref<16384x1024xf32, #tpu.memory_space<hbm>> -> memref<16384x1024xf32, #tpu.memory_space<hbm>>
    tpu.wait_indirect_dma semaphore(%arg15 : memref<!tpu.dma_semaphore, #tpu.memory_space<semaphore_mem>>) src(%arg10 : memref<8x1024xf32, #tpu.memory_space<vmem>>) dst(%dma_wait3A_243 : memref<16384x1024xf32, #tpu.memory_space<hbm>>)
    %dma_wait3A_244 = arith.constant 4 : i32
    %dma_wait3A_245 = arith.constant 0 : i32
    %dma_wait3A_246 = tpu.memref_slice %arg8[%dma_wait3A_244, %dma_wait3A_245] : memref<10x8xi32, #tpu.memory_space<vmem>> -> memref<1x8xi32, #tpu.memory_space<vmem>>
    %dma_wait3A_247 = tpu.memref_squeeze %dma_wait3A_246 : memref<1x8xi32, #tpu.memory_space<vmem>> -> memref<8xi32, #tpu.memory_space<vmem>>
    %dma_wait3A_248 = arith.constant 0 : i32
    %dma_wait3A_249 = arith.constant 0 : i32
    %dma_wait3A_250 = tpu.memref_slice %arg6[%dma_wait3A_248, %dma_wait3A_249] : memref<16384x1024xf32, #tpu.memory_space<hbm>> -> memref<16384x1024xf32, #tpu.memory_space<hbm>>
    tpu.wait_indirect_dma semaphore(%arg15 : memref<!tpu.dma_semaphore, #tpu.memory_space<semaphore_mem>>) src(%arg10 : memref<8x1024xf32, #tpu.memory_space<vmem>>) dst(%dma_wait3A_250 : memref<16384x1024xf32, #tpu.memory_space<hbm>>)
    %dma_wait3A_251 = arith.constant 5 : i32
    %dma_wait3A_252 = arith.constant 0 : i32
    %dma_wait3A_253 = tpu.memref_slice %arg8[%dma_wait3A_251, %dma_wait3A_252] : memref<10x8xi32, #tpu.memory_space<vmem>> -> memref<1x8xi32, #tpu.memory_space<vmem>>
    %dma_wait3A_254 = tpu.memref_squeeze %dma_wait3A_253 : memref<1x8xi32, #tpu.memory_space<vmem>> -> memref<8xi32, #tpu.memory_space<vmem>>
    %dma_wait3A_255 = arith.constant 0 : i32
    %dma_wait3A_256 = arith.constant 0 : i32
    %dma_wait3A_257 = tpu.memref_slice %arg6[%dma_wait3A_255, %dma_wait3A_256] : memref<16384x1024xf32, #tpu.memory_space<hbm>> -> memref<16384x1024xf32, #tpu.memory_space<hbm>>
    tpu.wait_indirect_dma semaphore(%arg15 : memref<!tpu.dma_semaphore, #tpu.memory_space<semaphore_mem>>) src(%arg10 : memref<8x1024xf32, #tpu.memory_space<vmem>>) dst(%dma_wait3A_257 : memref<16384x1024xf32, #tpu.memory_space<hbm>>)
    %dma_wait3A_258 = arith.constant 6 : i32
    %dma_wait3A_259 = arith.constant 0 : i32
    %dma_wait3A_260 = tpu.memref_slice %arg8[%dma_wait3A_258, %dma_wait3A_259] : memref<10x8xi32, #tpu.memory_space<vmem>> -> memref<1x8xi32, #tpu.memory_space<vmem>>
    %dma_wait3A_261 = tpu.memref_squeeze %dma_wait3A_260 : memref<1x8xi32, #tpu.memory_space<vmem>> -> memref<8xi32, #tpu.memory_space<vmem>>
    %dma_wait3A_262 = arith.constant 0 : i32
    %dma_wait3A_263 = arith.constant 0 : i32
    %dma_wait3A_264 = tpu.memref_slice %arg6[%dma_wait3A_262, %dma_wait3A_263] : memref<16384x1024xf32, #tpu.memory_space<hbm>> -> memref<16384x1024xf32, #tpu.memory_space<hbm>>
    tpu.wait_indirect_dma semaphore(%arg15 : memref<!tpu.dma_semaphore, #tpu.memory_space<semaphore_mem>>) src(%arg10 : memref<8x1024xf32, #tpu.memory_space<vmem>>) dst(%dma_wait3A_264 : memref<16384x1024xf32, #tpu.memory_space<hbm>>)
    %dma_wait3A_265 = arith.constant 7 : i32
    %dma_wait3A_266 = arith.constant 0 : i32
    %dma_wait3A_267 = tpu.memref_slice %arg8[%dma_wait3A_265, %dma_wait3A_266] : memref<10x8xi32, #tpu.memory_space<vmem>> -> memref<1x8xi32, #tpu.memory_space<vmem>>
    %dma_wait3A_268 = tpu.memref_squeeze %dma_wait3A_267 : memref<1x8xi32, #tpu.memory_space<vmem>> -> memref<8xi32, #tpu.memory_space<vmem>>
    %dma_wait3A_269 = arith.constant 0 : i32
    %dma_wait3A_270 = arith.constant 0 : i32
    %dma_wait3A_271 = tpu.memref_slice %arg6[%dma_wait3A_269, %dma_wait3A_270] : memref<16384x1024xf32, #tpu.memory_space<hbm>> -> memref<16384x1024xf32, #tpu.memory_space<hbm>>
    tpu.wait_indirect_dma semaphore(%arg15 : memref<!tpu.dma_semaphore, #tpu.memory_space<semaphore_mem>>) src(%arg10 : memref<8x1024xf32, #tpu.memory_space<vmem>>) dst(%dma_wait3A_271 : memref<16384x1024xf32, #tpu.memory_space<hbm>>)
    %dma_wait3A_272 = arith.constant 8 : i32
    %dma_wait3A_273 = arith.constant 0 : i32
    %dma_wait3A_274 = tpu.memref_slice %arg8[%dma_wait3A_272, %dma_wait3A_273] : memref<10x8xi32, #tpu.memory_space<vmem>> -> memref<1x8xi32, #tpu.memory_space<vmem>>
    %dma_wait3A_275 = tpu.memref_squeeze %dma_wait3A_274 : memref<1x8xi32, #tpu.memory_space<vmem>> -> memref<8xi32, #tpu.memory_space<vmem>>
    %dma_wait3A_276 = arith.constant 0 : i32
    %dma_wait3A_277 = arith.constant 0 : i32
    %dma_wait3A_278 = tpu.memref_slice %arg6[%dma_wait3A_276, %dma_wait3A_277] : memref<16384x1024xf32, #tpu.memory_space<hbm>> -> memref<16384x1024xf32, #tpu.memory_space<hbm>>
    tpu.wait_indirect_dma semaphore(%arg15 : memref<!tpu.dma_semaphore, #tpu.memory_space<semaphore_mem>>) src(%arg10 : memref<8x1024xf32, #tpu.memory_space<vmem>>) dst(%dma_wait3A_278 : memref<16384x1024xf32, #tpu.memory_space<hbm>>)
    %dma_wait3A_279 = arith.constant 9 : i32
    %dma_wait3A_280 = arith.constant 0 : i32
    %dma_wait3A_281 = tpu.memref_slice %arg8[%dma_wait3A_279, %dma_wait3A_280] : memref<10x8xi32, #tpu.memory_space<vmem>> -> memref<1x8xi32, #tpu.memory_space<vmem>>
    %dma_wait3A_282 = tpu.memref_squeeze %dma_wait3A_281 : memref<1x8xi32, #tpu.memory_space<vmem>> -> memref<8xi32, #tpu.memory_space<vmem>>
    %dma_wait3A_283 = arith.constant 0 : i32
    %dma_wait3A_284 = arith.constant 0 : i32
    %dma_wait3A_285 = tpu.memref_slice %arg6[%dma_wait3A_283, %dma_wait3A_284] : memref<16384x1024xf32, #tpu.memory_space<hbm>> -> memref<16384x1024xf32, #tpu.memory_space<hbm>>
    tpu.wait_indirect_dma semaphore(%arg15 : memref<!tpu.dma_semaphore, #tpu.memory_space<semaphore_mem>>) src(%arg10 : memref<8x1024xf32, #tpu.memory_space<vmem>>) dst(%dma_wait3A_285 : memref<16384x1024xf32, #tpu.memory_space<hbm>>)
    return
  }
}

</mosaic_0001>

<sc_bundles>
// kernel: kernel.3.cloned.1.call-start
scs
__scs_entry_jumppad:
0x0: {  	(pc) =	sbr.rel $0x88, $3  }
0x1: {  	(tag) =	ssettag $0x0;
	lr =	simm.s32 $0x1  }
0x2: {  	[smem:$0x3F9F] =	sst lr;
	_ =	strace $0xD0000000  }
0x3: {  	_ = 	snop  }
0x4: {  	_ = 	snop  }
0x5: {  	_ = 	snop  }
0x6: {  	_ = 	snop  }
0x7: {  	_ = 	snop  }
__scs_overlays_trampoline_lowered:
0x8: {  	[smem:$0x3FAE] =	sst s0  }
0x9: {  	[smem:$0x3FAF] =	sst s1  }
0xa: {  	[smem:$0x3FB0] =	sst s2  }
0xb: {  	[smem:$0x3FB1] =	sst s3  }
0xc: {  	[smem:$0x3FB2] =	sst s4  }
0xd: {  	[smem:$0x3FB3] =	sst s5  }
0xe: {  	[smem:$0x3FB4] =	sst s6  }
0xf: {  	[smem:$0x3FB5] =	sst s7  }
0x10: {  	[smem:$0x3FB6] =	sst s8  }
0x11: {  	[smem:$0x3FB7] =	sst s9;
	s0 =	simm.s32 @!p0 $0x0  }
0x12: {  	s1 =	sld [smem:$0x3F9D];
	s0 =	simm.s32 @p0 $0x1  }
0x13: {  	[smem:$0x3FB8] =	sst s0;
	s0 =	simm.s32 @!p1 $0x0  }
0x14: {  	s2 =	sld [smem:$0x3F9C];
	s0 =	simm.s32 @p1 $0x1  }
0x15: {  	[smem:$0x3FB9] =	sst s0;
	s0 =	simm.s32 @!p2 $0x0  }
0x16: {  	s3 =	sld [smem:$0x3FDB];
	s0 =	simm.s32 @p2 $0x1  }
0x17: {  	s4 =	simm.s32 $0x1BF5;
	[smem:$0x3FBB] =	sst s0  }
0x18: {  	s0 =	sld [smem:$0x3F9E];
	_ =	swait.ge [sflag:s4], $0x0  }
0x19: {  	s7 =	sld [smem:$0x3F9F]  }
0x1a: {  	s8 =	sadd.s32 $0xFFFFE003, lr  }
0x1b: {  	s9 =	sadd.s32 $0xFFFFFEF7, lr;
	s5 =	simm.s32 $0xFFFFFFFF;
	p2 =	slt.u32 s8, $0xFFFFF086  }
0x1c: {  	p1 =	slt.u32 s9, $0xF7A;
	s5 =	simm.s32 @!p2 $0x0  }
0x1d: {  	s5 =	simm.s32 @p1 $0x1;
	p0 =	seq.s32 s7, s2  }
0x1e: {  	s7 =	smul.u32 @!p0 $0xF7A, s2;
	p2 =	seq.s32 @!p0 s5, $0x0  }
0x1f: {  	s9 =	smul.u32 $0xF7A, s1;
	s8 =	simm.s32 @!p0 $0x1BF5;
	p2 =	por !p2, p0  }
0x20: {  	[sflag:s8] =	ssyncset.s32 @!p0 $0xFFFFF086;
	s6 =	sadd.s32 @!p0 s3, s7;
	s7 =	simm.s32 @!p0 $0x108  }
0x21: {  	s3 =	sadd.s32 s3, s9;
	s6 =	sadd.s32 @!p0 $0x88, s6;
	s7 =	simm.s32 @p2 $0x1082  }
0x22: {  	[simem:s7], [sflag:s8] =	dma.local @!p0 [hbm:s6], $0xF7A  }
0x23: {  	s9 =	sor.u32 $0xD0000000, s2;
	s6 =	simm.s32 $0x108;
	_ =	swait.ge @!p0 [sflag:s8], $0x0  }
0x24: {  	s3 =	sadd.s32 $0x88, s3;
	s6 =	simm.s32 @!p1 $0x1082;
	[sflag:s4] =	ssyncset.s32 $0xFFFFF086  }
0x25: {  	[simem:s6], [sflag:s4] =	dma.local [hbm:s3], $0xF7A  }
0x26: {  	[smem:$0x3F9F] =	sst s1;
	(tag) =	ssettag s2;
	_ =	strace s9  }
0x27: {  	s1 =	sld [smem:$0x3FAF]  }
0x28: {  	s2 =	sld [smem:$0x3FB0]  }
0x29: {  	s4 =	sld [smem:$0x3FB2]  }
0x2a: {  	p0 =	seq.s32 s5, $0x0;
	s5 =	sld [smem:$0x3FB3]  }
0x2b: {  	s6 =	sld [smem:$0x3FB4]  }
0x2c: {  	s7 =	sld [smem:$0x3FB5]  }
0x2d: {  	s3 =	simm.s32 $0x108;
	s8 =	sld [smem:$0x3FB6]  }
0x2e: {  	s3 =	simm.s32 @!p0 $0x1082;
	s9 =	sld [smem:$0x3FB7]  }
0x2f: {  	lr =	sadd.s32 s0, s3;
	s0 =	sld [smem:$0x3FAE]  }
0x30: {  	s3 =	sld [smem:$0x3FB1]  }
0x31: {  	[smem:$0x3FBA] =	sst s10  }
0x32: {  	s10 =	sld [smem:$0x3FB8];
	_ =	sdelay $0x3  }
0x33: {  	p0 =	seq.s32 s10, $0x1;
	s10 =	sld [smem:$0x3FBA];
	_ =	sdelay $0x3  }
0x34: {  	[smem:$0x3FBA] =	sst s10  }
0x35: {  	s10 =	sld [smem:$0x3FB9];
	_ =	sdelay $0x3  }
0x36: {  	p1 =	seq.s32 s10, $0x1;
	s10 =	sld [smem:$0x3FBA];
	_ =	sdelay $0x3  }
0x37: {  	[smem:$0x3FBA] =	sst s10  }
0x38: {  	s10 =	sld [smem:$0x3FBB]  }
0x39: {  	_ = 	snop;
	(pc) =	sbr.ind lr, $3  }
0x3a: {  	_ = 	snop  }
0x3b: {  	_ = 	snop  }
0x3c: {  	p2 =	seq.s32 s10, $0x1;
	s10 =	sld [smem:$0x3FBA]  }
0x3d: {  	_ =	shalt  }
0x3e: {  	_ =	shalt  }
0x3f: {  	_ =	shalt  }
0x40: {  	_ =	shalt  }
0x41: {  	_ =	shalt  }
0x42: {  	_ =	shalt  }
0x43: {  	_ =	shalt  }
0x44: {  	_ =	shalt  }
0x45: {  	_ =	shalt  }
0x46: {  	_ =	shalt  }
0x47: {  	_ =	shalt  }
0x48: {  	_ =	shalt  }
0x49: {  	_ =	shalt  }
0x4a: {  	_ =	shalt  }
0x4b: {  	_ =	shalt  }
0x4c: {  	_ =	shalt  }
0x4d: {  	_ =	shalt  }
0x4e: {  	_ =	shalt  }
0x4f: {  	_ =	shalt  }
0x50: {  	_ =	shalt  }
0x51: {  	_ =	shalt  }
0x52: {  	_ =	shalt  }
0x53: {  	_ =	shalt  }
0x54: {  	_ =	shalt  }
0x55: {  	_ =	shalt  }
0x56: {  	_ =	shalt  }
0x57: {  	_ =	shalt  }
0x58: {  	_ =	shalt  }
0x59: {  	_ =	shalt  }
0x5a: {  	_ =	shalt  }
0x5b: {  	_ =	shalt  }
0x5c: {  	_ =	shalt  }
0x5d: {  	_ =	shalt  }
0x5e: {  	_ =	shalt  }
0x5f: {  	_ =	shalt  }
0x60: {  	_ =	shalt  }
0x61: {  	_ =	shalt  }
0x62: {  	_ =	shalt  }
0x63: {  	_ =	shalt  }
0x64: {  	_ =	shalt  }
0x65: {  	_ =	shalt  }
0x66: {  	_ =	shalt  }
0x67: {  	_ =	shalt  }
0x68: {  	_ =	shalt  }
0x69: {  	_ =	shalt  }
0x6a: {  	_ =	shalt  }
0x6b: {  	_ =	shalt  }
0x6c: {  	_ =	shalt  }
0x6d: {  	_ =	shalt  }
0x6e: {  	_ =	shalt  }
0x6f: {  	_ =	shalt  }
0x70: {  	_ =	shalt  }
0x71: {  	_ =	shalt  }
0x72: {  	_ =	shalt  }
0x73: {  	_ =	shalt  }
0x74: {  	_ =	shalt  }
0x75: {  	_ =	shalt  }
0x76: {  	_ =	shalt  }
0x77: {  	_ =	shalt  }
0x78: {  	_ =	shalt  }
0x79: {  	_ =	shalt  }
0x7a: {  	_ =	shalt  }
0x7b: {  	_ =	shalt  }
0x7c: {  	_ =	shalt  }
0x7d: {  	_ =	shalt  }
0x7e: {  	_ =	shalt  }
0x7f: {  	_ =	shalt  }
0x80: {  	_ =	shalt  }
0x81: {  	_ =	shalt  }
0x82: {  	_ =	shalt  }
0x83: {  	_ =	shalt  }
0x84: {  	_ =	shalt  }
0x85: {  	_ =	shalt  }
0x86: {  	_ =	shalt  }
0x87: {  	_ =	shalt  }
.Lfunc_end0:
.L_simem_size_0:
called_computation_lowered:
.L_overlay_start_0:
0x88: {  	s2 =	sld [smem:$0x3FD9]  }
0x89: {  	s3 =	sld [smem:$0x3FFE];
	_ =	sdelay $0x1  }
0x8a: {  	s1 =	srdreg.scid  }
0x8b: {  	s0 =	sand.u32 $0x1, s1  }
0x8c: {  	s14 =	sshll.u32 s0, $0xA;
	s2 =	sadd.s32 s3, s2  }
0x8d: {  	s2 =	sadd.s32 s2, s14  }
0x8e: {  	[smem:$0x3FC6] =	sst s2  }
0x8f: {  	_ = 	snop  }
0x90: {  	s2 =	sld [smem:$0x3FD0];
	_ =	sdelay $0x2  }
0x91: {  	s4 =	simm.s32 $0xA;
	s5 =	simm.s32 $0x10;
	s15 =	sld [smem:$0x3FC9]  }
0x92: {  	[smem:s5], [sflag:s4] =	dma.local [hbm:s2], $0x1  }
0x93: {  	_ =	swait.eq [sflag:s4], $0x1  }
0x94: {  	[sflag:s4] =	ssyncset.done $0x0  }
0x95: {  	[sflag:s4] =	ssyncadd.s32 $0xFFFFFFFF  }
0x96: {  	s16 =	sld [smem:$0x10];
	(tm) =	ssettm $0x1  }
0x97: {  	s17 =	sld [smem:$0x3FFB];
	_ =	sdelay $0x3  }
0x98: {  	_ =	strace s17  }
0x99: {  	s4 =	sld [smem:$0x3FFC];
	_ =	sdelay $0x3  }
0x9a: {  	_ =	strace s4  }
0x9b: {  	s4 =	sld [smem:$0x3FFD];
	_ =	sdelay $0x3  }
0x9c: {  	_ =	strace s4  }
0x9d: {  	_ =	strace $0x8FFFFFFF  }
0x9e: {  	s18 =	sld [smem:$0x3FDB];
	_ =	sdelay $0x1  }
0x9f: {  	s19 =	simm.s32 $_scs_section_size  }
0xa0: {  	s6 =	simm.s32 $_size__tile_overlayer_lowered;
	s7 =	simm.s32 $_tile_overlayer_lowered  }
0xa1: {  	s22 =	simm.s32 $0x1BFF;
	s21 =	sshll.u32 s7, $0x1;
	s4 =	sadd.s32 s19, s18  }
0xa2: {  	s8 =	simm.s32 $0x0;
	s20 =	sshll.u32 s6, $0x1;
	s6 =	sadd.s32 s21, s4  }
0xa3: {  	[timem:s8], [sflag:s22] =	dma.local [hbm:s6], s20  }
0xa4: {  	_ =	swait.ge [sflag:s22], s20  }
0xa5: {  	s5 =	ssub.s32 $0x0, s20;
	[sflag:s22] =	ssyncset.done $0x0  }
0xa6: {  	[sflag:s22] =	ssyncadd.s32 s5;
	_ =	sdelay $0x1  }
0xa7: {  	s23 =	simm.s32 $0x1B8B  }
0xa8: {  	_ =	swait.ge [sflag:s23], $0x1  }
0xa9: {  	[sflag:s23] =	ssyncset.done $0x0  }
0xaa: {  	s25 =	simm.s32 $0x1B8E;
	s24 =	sld [smem:$0x3FFE];
	[sflag:s23] =	ssyncadd.s32 $0xFFFFFFFF  }
0xab: {  	s26 =	simm.s32 $execute0_lowered;
	[smem:$0x3FD2] =	sst s25  }
0xac: {  	s6 =	sshll.u32 s26, $0x1;
	_ =	strace $0x80000046;
	[dreg:$0x1] =	wrdreg $0xFFFFFFFF  }
0xad: {  	s28 =	simm.s32 $_size_execute0_lowered;
	s4 =	sadd.s32 s4, s6;
	[dreg:$0x0] =	wrdreg $0x0  }
0xae: {  	s6 =	sshll.u32 s28, $0x1;
	[dreg:$0x2] =	wrdreg s4  }
0xaf: {  	[dreg:$0x3] =	wrdreg s6  }
0xb0: {  	[dreg:$0x4] =	wrdreg $0xC0  }
0xb1: {  	_ =	task [dreg:s8], $0x5FFFF  }
0xb2: {  	[dreg:$0x1] =	wrdreg $0xFFFFFFFF  }
0xb3: {  	[dreg:$0x0] =	wrdreg $0x60  }
0xb4: {  	[dreg:$0x2] =	wrdreg s15  }
0xb5: {  	[dreg:$0x3] =	wrdreg s24  }
0xb6: {  	[dreg:$0x4] =	wrdreg s16  }
0xb7: {  	[dreg:$0x5] =	wrdreg $0x1C9000  }
0xb8: {  	[dreg:$0x6] =	wrdreg $0x9  }
0xb9: {  	_ =	task.clear_ibuf [dreg:s8], $0x7FFFF;
	_ =	strace $0x90000046  }
0xba: {  	s29 =	simm.s32 $0x9;
	_ =	strace $0x80000048  }
0xbb: {  	_ =	swait.ge [sflag:s29], $0x1  }
0xbc: {  	[sflag:s29] =	ssyncadd.s32 $0xFFFFFFFF  }
0xbd: {  	_ =	strace $0x90000048  }
0xbe: {  	_ =	sfence  }
0xbf: {  	s30 =	sld [smem:$0x0];
	_ =	sdelay $0x2  }
0xc0: {  	s31 =	sshll.u32 s1, $0xD;
	s1 =	sshrl.u32 s1, $0x2  }
0xc1: {  	s3 =	sand.u32 $0x4000, s31;
	s1 =	sadd.s32 s1, s30  }
0xc2: {  	s0 =	sor.u32 s3, s0;
	s1 =	sshll.u32 s1, $0x11  }
0xc3: {  	s0 =	sor.u32 s1, s0  }
0xc4: {  	s0 =	sadd.s32 $0x8F2B, s0  }
0xc5: {  	[sflag:s0] =	ssyncadd.remote.s32 $0x1  }
0xc6: {  	_ =	sfence.sel $0xFFFF  }
0xc7: {  	[dreg:$0x0] =	wrdreg $0xFFFFFFFF;
	(pc) =	sbr.abs _section_cstart, $3  }
0xc8: {  	[dreg:$0x1] =	wrdreg $0xFFFFFFFF  }
0xc9: {  	_ =	task.clear_ibuf [dreg:s8], $0x2FFFF;
	_ =	strace $0x9FFFFFFF  }
0xca: {  	(tm) =	ssettm $0x7FFFFFFF  }
0xcb: {  	_ =	shalt  }
tec
execute0_lowered:
.L_overlay_start_1:
0x0: {  	(tag) =	ssettag $0x1  }
0x1: {  	s0 =	rddreg [dreg:$0x0]  }
0x2: {  	s2 =	rddreg [dreg:$0x1]  }
0x3: {  	s1 =	rddreg [dreg:$0x2];
	s3 =	srdreg.scid  }
0x4: {  	s13 =	stileid.u32;
	s10 =	rddreg [dreg:$0x3];
	s5 =	simm.s32 $0x0  }
0x5: {  	s31 =	simm.s32 $0x100;
	[smem:$0x7FF] =	sst s5;
	s16 =	sadd.s32 $0x2000, s10  }
0x6: {  	s17 =	sadd.s32 $0x4000, s10;
	_ =	strace $0x80000047;
	[dreg:$0x8] =	wrdreg s16  }
0x7: {  	s3 =	sand.u32 $0x1, s3;
	s18 =	sadd.s32 $0x6000, s10;
	[dreg:$0x9] =	wrdreg s17  }
0x8: {  	s4 =	sshll.u32 s13, $0x1;
	s19 =	sadd.s32 $0x8000, s10;
	[dreg:$0xa] =	wrdreg s18  }
0x9: {  	s8 =	sadd.s32 $0x300, s1;
	s20 =	sadd.s32 $0xA000, s10;
	[dreg:$0xb] =	wrdreg s19  }
0xa: {  	s21 =	sadd.s32 $0xC000, s10;
	s22 =	sadd.s32 $0xE000, s10;
	[dreg:$0xc] =	wrdreg s20  }
0xb: {  	s10 =	sadd.s32 $0x200, s0;
	s11 =	sadd.s32 $0x300, s0;
	[dreg:$0xd] =	wrdreg s21  }
0xc: {  	p0 =	sne.s32 s13, $0x0;
	s4 =	sor.u32 s3, s4;
	[dreg:$0xe] =	wrdreg s22  }
0xd: {  	s3 =	ssub.s32 $0x2, s3;
	[dreg:$0x15] =	wrdreg s31;
	s6 =	sshll.u32 s4, $0x5  }
0xe: {  	s7 =	sshll.u32 s4, $0x8;
	s14 =	sshrl.u32 s3, $0x1;
	s4 =	smul.u32 $0x50, s4  }
0xf: {  	s6 =	sadd.s32 s6, s2;
	s7 =	sadd.s32 s7, s2;
	s2 =	sadd.s32 $0x600, s2  }
0x10: {  	[dreg:$0x5] =	wrdreg s2;
	s6 =	sadd.s32 $0xA00, s6;
	s9 =	smin.u32 s4, $0x940  }
0x11: {  	s2 =	ssub.s32 s3, s14;
	s15 =	sadd.s32 $0xE00, s7;
	s9 =	sshll.u32 s9, $0x7  }
0x12: {  	s7 =	sadd.s32 $0x200, s1;
	[dreg:$0x6] =	wrdreg s6;
	s23 =	sadd.s32 s9, s1  }
0x13: {  	s4 =	smin.u32 s4, $0x948;
	[dreg:$0x7] =	wrdreg s15;
	s24 =	sadd.s32 $0x32C00, s23  }
0x14: {  	s6 =	sadd.s32 $0x100, s1;
	s25 =	sadd.s32 $0x34C00, s23;
	[dreg:$0xf] =	wrdreg s24  }
0x15: {  	s4 =	sshll.u32 s4, $0x7;
	s26 =	sadd.s32 $0x120400, s23;
	[dreg:$0x10] =	wrdreg s25  }
0x16: {  	s4 =	sadd.s32 s4, s1;
	s28 =	sadd.s32 $0x122400, s23;
	[dreg:$0x11] =	wrdreg s26  }
0x17: {  	v2 =	vlaneseq.u32;
	s3 =	smax.u32 s2, $0x1;
	s29 =	sadd.s32 $0x1A4400, s4;
	[dreg:$0x12] =	wrdreg s28  }
0x18: {  	vm0 =	vmmov $0xffff;
	v1 =	vshrl.u32 v2, $0x3;
	s9 =	sadd.s32 $0x100, s0;
	s30 =	sadd.s32 $0x1A6400, s4;
	[dreg:$0x13] =	wrdreg s29  }
0x19: {  	v0 =	vand.u32 $0x7, v2;
	v2 =	vor.u32 $0x8, v2;
	v1 =	vmul.u32 $0x8, v1;
	[dreg:$0x14] =	wrdreg s30;
	s24 =	simm.s32 $0x1;
	s25 =	simm.s32 $0x4  }
.LBB2_1:
0x1a: {  	[dreg:$0x16] =	wrdreg s3  }
0x1b: {  	s26 =	rddreg [dreg:$0x6];
	s2 =	simm.s32 $0x5  }
0x1c: {  	[tilespmem:s5], [sflag:$0x5] =	stream.linear.gather [hbm4b:s26+s5], $0x100, $0x38;
	[tilespmem:$0x1D900] =	vst v63  }
0x1d: {  	_ =	swait.ge [sflag:s2], $0x100  }
0x1e: {  	s14 =	rddreg [dreg:$0x7];
	[sflag:s2] =	ssyncset.done $0x0  }
0x1f: {  	s28 =	rddreg [dreg:$0x15];
	[sflag:s2] =	ssyncadd.s32 $0xFFFFFF00  }
0x20: {  	[tilespmem:s28], [sflag:$0x5] =	stream.linear.gather [hbm4b:s14+s5], $0x500, $0x38;
	[tilespmem:$0x1D900] =	vst v63  }
0x21: {  	_ =	swait.ge [sflag:s2], $0x500  }
0x22: {  	[sflag:s2] =	ssyncset.done $0x0  }
0x23: {  	s13 =	simm.s32 $0x1A900;
	s15 =	rddreg [dreg:$0x5];
	[sflag:s2] =	ssyncadd.s32 $0xFFFFFB00  }
0x24: {  	[tilespmem:s13], [sflag:$0x5] =	stream.linear.gather [hbm4b:s15+s5], $0x2000, $0x38;
	[tilespmem:$0x1D900] =	vst v63  }
0x25: {  	_ =	swait.ge [sflag:s2], $0x2000  }
0x26: {  	[sflag:s2] =	ssyncset.done $0x0  }
0x27: {  	[sflag:s2] =	ssyncadd.s32 $0xFFFFE000  }
0x28: {  	v3 =	vld.msk [tilespmem:$0x100], $0xff;
	_ =	sdelay $0x4  }
0x29: {  	v4 =	vshll.u32 v3, $0x3  }
0x2a: {  	v3 =	vand.u32 $0x7, v3;
	v4 =	vand.u32 $0xFFFFFFC0, v4  }
0x2b: {  	v3 =	vor.u32 v3, v4  }
0x2c: {  	v3 =	vperm.xlane v3, v0;
	_ =	sdelay $0x1  }
0x2d: {  	v3 =	vadd.s32 v1, v3;
	_ =	sdelay $0x4  }
0x2e: {  	[hbm4b:s1+s5] =	stream.indirect_vreg.scatter [tilespmem:s13], [sflag:$0x4], $0x80, v3, vm0, $0xb8;
	[tilespmem:$0x1D900] =	vst v63  }
0x2f: {  	s16 =	simm.s32 $0x1B100  }
0x30: {  	[hbm4b:s6+s5] =	stream.indirect_vreg.scatter [tilespmem:s16], [sflag:$0x4], $0x80, v3, vm0, $0xb8;
	[tilespmem:$0x1D900] =	vst v63  }
0x31: {  	s17 =	simm.s32 $0x1B900  }
0x32: {  	[hbm4b:s7+s5] =	stream.indirect_vreg.scatter [tilespmem:s17], [sflag:$0x4], $0x80, v3, vm0, $0xb8;
	[tilespmem:$0x1D900] =	vst v63  }
0x33: {  	s4 =	simm.s32 $0x1C100  }
0x34: {  	[hbm4b:s8+s5] =	stream.indirect_vreg.scatter [tilespmem:s4], [sflag:$0x4], $0x80, v3, vm0, $0xb8;
	[tilespmem:$0x1D900] =	vst v63  }
0x35: {  	v3 =	vld.msk [tilespmem:$0x180], $0xff;
	_ =	sdelay $0x4  }
0x36: {  	v27 =	vshll.u32 v3, $0x3  }
0x37: {  	v3 =	vand.u32 $0x7, v3;
	v4 =	vand.u32 $0xFFFFFFC0, v27  }
0x38: {  	v3 =	vor.u32 v3, v4  }
0x39: {  	v3 =	vperm.xlane v3, v0;
	_ =	sdelay $0x1  }
0x3a: {  	v3 =	vadd.s32 v1, v3;
	_ =	sdelay $0x4  }
0x3b: {  	[hbm4b:s1+s5] =	stream.indirect_vreg.scatter [tilespmem:s13], [sflag:$0x4], $0x80, v3, vm0, $0xb8;
	[tilespmem:$0x1D900] =	vst v63  }
0x3c: {  	_ = 	snop  }
0x3d: {  	[hbm4b:s6+s5] =	stream.indirect_vreg.scatter [tilespmem:s16], [sflag:$0x4], $0x80, v3, vm0, $0xb8;
	[tilespmem:$0x1D900] =	vst v63  }
0x3e: {  	_ = 	snop  }
0x3f: {  	[hbm4b:s7+s5] =	stream.indirect_vreg.scatter [tilespmem:s17], [sflag:$0x4], $0x80, v3, vm0, $0xb8;
	[tilespmem:$0x1D900] =	vst v63  }
0x40: {  	_ = 	snop  }
0x41: {  	[hbm4b:s8+s5] =	stream.indirect_vreg.scatter [tilespmem:s4], [sflag:$0x4], $0x80, v3, vm0, $0xb8;
	[tilespmem:$0x1D900] =	vst v63  }
0x42: {  	v3 =	vld.msk [tilespmem:$0x200], $0xff;
	_ =	sdelay $0x4  }
0x43: {  	v28 =	vshll.u32 v3, $0x3  }
0x44: {  	v3 =	vand.u32 $0x7, v3;
	v4 =	vand.u32 $0xFFFFFFC0, v28  }
0x45: {  	v3 =	vor.u32 v3, v4  }
0x46: {  	v3 =	vperm.xlane v3, v0;
	_ =	sdelay $0x1  }
0x47: {  	v3 =	vadd.s32 v1, v3;
	_ =	sdelay $0x4  }
0x48: {  	[hbm4b:s1+s5] =	stream.indirect_vreg.scatter [tilespmem:s13], [sflag:$0x4], $0x80, v3, vm0, $0xb8;
	[tilespmem:$0x1D900] =	vst v63  }
0x49: {  	_ = 	snop  }
0x4a: {  	[hbm4b:s6+s5] =	stream.indirect_vreg.scatter [tilespmem:s16], [sflag:$0x4], $0x80, v3, vm0, $0xb8;
	[tilespmem:$0x1D900] =	vst v63  }
0x4b: {  	_ = 	snop  }
0x4c: {  	[hbm4b:s7+s5] =	stream.indirect_vreg.scatter [tilespmem:s17], [sflag:$0x4], $0x80, v3, vm0, $0xb8;
	[tilespmem:$0x1D900] =	vst v63  }
0x4d: {  	_ = 	snop  }
0x4e: {  	[hbm4b:s8+s5] =	stream.indirect_vreg.scatter [tilespmem:s4], [sflag:$0x4], $0x80, v3, vm0, $0xb8;
	[tilespmem:$0x1D900] =	vst v63  }
0x4f: {  	v3 =	vld.msk [tilespmem:$0x280], $0xff;
	_ =	sdelay $0x4  }
0x50: {  	v29 =	vshll.u32 v3, $0x3  }
0x51: {  	v3 =	vand.u32 $0x7, v3;
	v4 =	vand.u32 $0xFFFFFFC0, v29  }
0x52: {  	v3 =	vor.u32 v3, v4  }
0x53: {  	v3 =	vperm.xlane v3, v0;
	_ =	sdelay $0x1  }
0x54: {  	v3 =	vadd.s32 v1, v3;
	_ =	sdelay $0x4  }
0x55: {  	[hbm4b:s1+s5] =	stream.indirect_vreg.scatter [tilespmem:s13], [sflag:$0x4], $0x80, v3, vm0, $0xb8;
	[tilespmem:$0x1D900] =	vst v63  }
0x56: {  	_ = 	snop  }
0x57: {  	[hbm4b:s6+s5] =	stream.indirect_vreg.scatter [tilespmem:s16], [sflag:$0x4], $0x80, v3, vm0, $0xb8;
	[tilespmem:$0x1D900] =	vst v63  }
0x58: {  	_ = 	snop  }
0x59: {  	[hbm4b:s7+s5] =	stream.indirect_vreg.scatter [tilespmem:s17], [sflag:$0x4], $0x80, v3, vm0, $0xb8;
	[tilespmem:$0x1D900] =	vst v63  }
0x5a: {  	_ = 	snop  }
0x5b: {  	[hbm4b:s8+s5] =	stream.indirect_vreg.scatter [tilespmem:s4], [sflag:$0x4], $0x80, v3, vm0, $0xb8;
	[tilespmem:$0x1D900] =	vst v63  }
0x5c: {  	v3 =	vld.msk [tilespmem:$0x300], $0xff;
	_ =	sdelay $0x4  }
0x5d: {  	v30 =	vshll.u32 v3, $0x3  }
0x5e: {  	v3 =	vand.u32 $0x7, v3;
	v4 =	vand.u32 $0xFFFFFFC0, v30  }
0x5f: {  	v3 =	vor.u32 v3, v4  }
0x60: {  	v3 =	vperm.xlane v3, v0;
	_ =	sdelay $0x1  }
0x61: {  	v3 =	vadd.s32 v1, v3;
	_ =	sdelay $0x4  }
0x62: {  	[hbm4b:s1+s5] =	stream.indirect_vreg.scatter [tilespmem:s13], [sflag:$0x4], $0x80, v3, vm0, $0xb8;
	[tilespmem:$0x1D900] =	vst v63  }
0x63: {  	_ = 	snop  }
0x64: {  	[hbm4b:s6+s5] =	stream.indirect_vreg.scatter [tilespmem:s16], [sflag:$0x4], $0x80, v3, vm0, $0xb8;
	[tilespmem:$0x1D900] =	vst v63  }
0x65: {  	_ = 	snop  }
0x66: {  	[hbm4b:s7+s5] =	stream.indirect_vreg.scatter [tilespmem:s17], [sflag:$0x4], $0x80, v3, vm0, $0xb8;
	[tilespmem:$0x1D900] =	vst v63  }
0x67: {  	_ = 	snop  }
0x68: {  	[hbm4b:s8+s5] =	stream.indirect_vreg.scatter [tilespmem:s4], [sflag:$0x4], $0x80, v3, vm0, $0xb8;
	[tilespmem:$0x1D900] =	vst v63  }
0x69: {  	v3 =	vld.msk [tilespmem:$0x380], $0xff;
	_ =	sdelay $0x4  }
0x6a: {  	v31 =	vshll.u32 v3, $0x3  }
0x6b: {  	v3 =	vand.u32 $0x7, v3;
	v4 =	vand.u32 $0xFFFFFFC0, v31  }
0x6c: {  	v3 =	vor.u32 v3, v4  }
0x6d: {  	v3 =	vperm.xlane v3, v0;
	_ =	sdelay $0x1  }
0x6e: {  	v3 =	vadd.s32 v1, v3;
	_ =	sdelay $0x4  }
0x6f: {  	[hbm4b:s1+s5] =	stream.indirect_vreg.scatter [tilespmem:s13], [sflag:$0x4], $0x80, v3, vm0, $0xb8;
	[tilespmem:$0x1D900] =	vst v63  }
0x70: {  	_ = 	snop  }
0x71: {  	[hbm4b:s6+s5] =	stream.indirect_vreg.scatter [tilespmem:s16], [sflag:$0x4], $0x80, v3, vm0, $0xb8;
	[tilespmem:$0x1D900] =	vst v63  }
0x72: {  	_ = 	snop  }
0x73: {  	[hbm4b:s7+s5] =	stream.indirect_vreg.scatter [tilespmem:s17], [sflag:$0x4], $0x80, v3, vm0, $0xb8;
	[tilespmem:$0x1D900] =	vst v63  }
0x74: {  	_ = 	snop  }
0x75: {  	[hbm4b:s8+s5] =	stream.indirect_vreg.scatter [tilespmem:s4], [sflag:$0x4], $0x80, v3, vm0, $0xb8;
	[tilespmem:$0x1D900] =	vst v63  }
0x76: {  	v3 =	vld.msk [tilespmem:$0x400], $0xff;
	_ =	sdelay $0x4  }
0x77: {  	v32 =	vshll.u32 v3, $0x3  }
0x78: {  	v3 =	vand.u32 $0x7, v3;
	v4 =	vand.u32 $0xFFFFFFC0, v32  }
0x79: {  	v3 =	vor.u32 v3, v4  }
0x7a: {  	v3 =	vperm.xlane v3, v0;
	_ =	sdelay $0x1  }
0x7b: {  	v3 =	vadd.s32 v1, v3;
	_ =	sdelay $0x4  }
0x7c: {  	[hbm4b:s1+s5] =	stream.indirect_vreg.scatter [tilespmem:s13], [sflag:$0x4], $0x80, v3, vm0, $0xb8;
	[tilespmem:$0x1D900] =	vst v63  }
0x7d: {  	_ = 	snop  }
0x7e: {  	[hbm4b:s6+s5] =	stream.indirect_vreg.scatter [tilespmem:s16], [sflag:$0x4], $0x80, v3, vm0, $0xb8;
	[tilespmem:$0x1D900] =	vst v63  }
0x7f: {  	_ = 	snop  }
0x80: {  	[hbm4b:s7+s5] =	stream.indirect_vreg.scatter [tilespmem:s17], [sflag:$0x4], $0x80, v3, vm0, $0xb8;
	[tilespmem:$0x1D900] =	vst v63  }
0x81: {  	_ = 	snop  }
0x82: {  	[hbm4b:s8+s5] =	stream.indirect_vreg.scatter [tilespmem:s4], [sflag:$0x4], $0x80, v3, vm0, $0xb8;
	[tilespmem:$0x1D900] =	vst v63  }
0x83: {  	v3 =	vld.msk [tilespmem:$0x480], $0xff;
	_ =	sdelay $0x4  }
0x84: {  	v33 =	vshll.u32 v3, $0x3  }
0x85: {  	v3 =	vand.u32 $0x7, v3;
	v4 =	vand.u32 $0xFFFFFFC0, v33  }
0x86: {  	v3 =	vor.u32 v3, v4  }
0x87: {  	v3 =	vperm.xlane v3, v0;
	_ =	sdelay $0x1  }
0x88: {  	v3 =	vadd.s32 v1, v3;
	_ =	sdelay $0x4  }
0x89: {  	[hbm4b:s1+s5] =	stream.indirect_vreg.scatter [tilespmem:s13], [sflag:$0x4], $0x80, v3, vm0, $0xb8;
	[tilespmem:$0x1D900] =	vst v63  }
0x8a: {  	_ = 	snop  }
0x8b: {  	[hbm4b:s6+s5] =	stream.indirect_vreg.scatter [tilespmem:s16], [sflag:$0x4], $0x80, v3, vm0, $0xb8;
	[tilespmem:$0x1D900] =	vst v63  }
0x8c: {  	_ = 	snop  }
0x8d: {  	[hbm4b:s7+s5] =	stream.indirect_vreg.scatter [tilespmem:s17], [sflag:$0x4], $0x80, v3, vm0, $0xb8;
	[tilespmem:$0x1D900] =	vst v63  }
0x8e: {  	_ = 	snop  }
0x8f: {  	[hbm4b:s8+s5] =	stream.indirect_vreg.scatter [tilespmem:s4], [sflag:$0x4], $0x80, v3, vm0, $0xb8;
	[tilespmem:$0x1D900] =	vst v63  }
0x90: {  	v3 =	vld.msk [tilespmem:$0x500], $0xff;
	_ =	sdelay $0x4  }
0x91: {  	v34 =	vshll.u32 v3, $0x3  }
0x92: {  	v3 =	vand.u32 $0x7, v3;
	v4 =	vand.u32 $0xFFFFFFC0, v34  }
0x93: {  	v3 =	vor.u32 v3, v4  }
0x94: {  	v3 =	vperm.xlane v3, v0;
	_ =	sdelay $0x1  }
0x95: {  	v3 =	vadd.s32 v1, v3;
	_ =	sdelay $0x4  }
0x96: {  	[hbm4b:s1+s5] =	stream.indirect_vreg.scatter [tilespmem:s13], [sflag:$0x4], $0x80, v3, vm0, $0xb8;
	[tilespmem:$0x1D900] =	vst v63  }
0x97: {  	_ = 	snop  }
0x98: {  	[hbm4b:s6+s5] =	stream.indirect_vreg.scatter [tilespmem:s16], [sflag:$0x4], $0x80, v3, vm0, $0xb8;
	[tilespmem:$0x1D900] =	vst v63  }
0x99: {  	_ = 	snop  }
0x9a: {  	[hbm4b:s7+s5] =	stream.indirect_vreg.scatter [tilespmem:s17], [sflag:$0x4], $0x80, v3, vm0, $0xb8;
	[tilespmem:$0x1D900] =	vst v63  }
0x9b: {  	_ = 	snop  }
0x9c: {  	[hbm4b:s8+s5] =	stream.indirect_vreg.scatter [tilespmem:s4], [sflag:$0x4], $0x80, v3, vm0, $0xb8;
	[tilespmem:$0x1D900] =	vst v63  }
0x9d: {  	v3 =	vld.msk [tilespmem:$0x580], $0xff;
	_ =	sdelay $0x4  }
0x9e: {  	v35 =	vshll.u32 v3, $0x3  }
0x9f: {  	v3 =	vand.u32 $0x7, v3;
	v4 =	vand.u32 $0xFFFFFFC0, v35  }
0xa0: {  	v3 =	vor.u32 v3, v4  }
0xa1: {  	v3 =	vperm.xlane v3, v0;
	_ =	sdelay $0x1  }
0xa2: {  	v3 =	vadd.s32 v1, v3;
	_ =	sdelay $0x4  }
0xa3: {  	[hbm4b:s1+s5] =	stream.indirect_vreg.scatter [tilespmem:s13], [sflag:$0x4], $0x80, v3, vm0, $0xb8;
	[tilespmem:$0x1D900] =	vst v63  }
0xa4: {  	_ = 	snop  }
0xa5: {  	[hbm4b:s6+s5] =	stream.indirect_vreg.scatter [tilespmem:s16], [sflag:$0x4], $0x80, v3, vm0, $0xb8;
	[tilespmem:$0x1D900] =	vst v63  }
0xa6: {  	_ = 	snop  }
0xa7: {  	[hbm4b:s7+s5] =	stream.indirect_vreg.scatter [tilespmem:s17], [sflag:$0x4], $0x80, v3, vm0, $0xb8;
	[tilespmem:$0x1D900] =	vst v63  }
0xa8: {  	_ = 	snop  }
0xa9: {  	[hbm4b:s8+s5] =	stream.indirect_vreg.scatter [tilespmem:s4], [sflag:$0x4], $0x80, v3, vm0, $0xb8;
	[tilespmem:$0x1D900] =	vst v63  }
0xaa: {  	s26 =	simm.s32 @!p0 $0x1A900;
	s28 =	simm.s32 @!p0 $0x5;
	s30 =	rddreg [dreg:$0x3]  }
0xab: {  	[spmem:s30] =	stream.linear.scatter @!p0 [tilespmem:s26], [sflag:$0x5], $0x2000, $0x38;
	[tilespmem:$0x1D900] =	vst v63  }
0xac: {  	_ =	swait.ge @!p0 [sflag:s28], $0x2000  }
0xad: {  	[sflag:s28] =	ssyncset.done @!p0 $0x0  }
0xae: {  	s29 =	rddreg [dreg:$0x8];
	[sflag:s28] =	ssyncadd.s32 @!p0 $0xFFFFE000  }
0xaf: {  	[spmem:s29] =	stream.linear.scatter @!p0 [tilespmem:s26], [sflag:$0x5], $0x2000, $0x38;
	[tilespmem:$0x1D900] =	vst v63  }
0xb0: {  	_ =	swait.ge @!p0 [sflag:s28], $0x2000  }
0xb1: {  	[sflag:s28] =	ssyncset.done @!p0 $0x0  }
0xb2: {  	s29 =	rddreg [dreg:$0x9];
	[sflag:s28] =	ssyncadd.s32 @!p0 $0xFFFFE000  }
0xb3: {  	[spmem:s29] =	stream.linear.scatter @!p0 [tilespmem:s26], [sflag:$0x5], $0x2000, $0x38;
	[tilespmem:$0x1D900] =	vst v63  }
0xb4: {  	_ =	swait.ge @!p0 [sflag:s28], $0x2000  }
0xb5: {  	[sflag:s28] =	ssyncset.done @!p0 $0x0  }
0xb6: {  	s29 =	rddreg [dreg:$0xa];
	[sflag:s28] =	ssyncadd.s32 @!p0 $0xFFFFE000  }
0xb7: {  	[spmem:s29] =	stream.linear.scatter @!p0 [tilespmem:s26], [sflag:$0x5], $0x2000, $0x38;
	[tilespmem:$0x1D900] =	vst v63  }
0xb8: {  	_ =	swait.ge @!p0 [sflag:s28], $0x2000  }
0xb9: {  	[sflag:s28] =	ssyncset.done @!p0 $0x0  }
0xba: {  	s29 =	rddreg [dreg:$0xb];
	[sflag:s28] =	ssyncadd.s32 @!p0 $0xFFFFE000  }
0xbb: {  	[spmem:s29] =	stream.linear.scatter @!p0 [tilespmem:s26], [sflag:$0x5], $0x2000, $0x38;
	[tilespmem:$0x1D900] =	vst v63  }
0xbc: {  	_ =	swait.ge @!p0 [sflag:s28], $0x2000  }
0xbd: {  	[sflag:s28] =	ssyncset.done @!p0 $0x0  }
0xbe: {  	s29 =	rddreg [dreg:$0xc];
	[sflag:s28] =	ssyncadd.s32 @!p0 $0xFFFFE000  }
0xbf: {  	[spmem:s29] =	stream.linear.scatter @!p0 [tilespmem:s26], [sflag:$0x5], $0x2000, $0x38;
	[tilespmem:$0x1D900] =	vst v63  }
0xc0: {  	_ =	swait.ge @!p0 [sflag:s28], $0x2000  }
0xc1: {  	[sflag:s28] =	ssyncset.done @!p0 $0x0  }
0xc2: {  	s29 =	rddreg [dreg:$0xd];
	[sflag:s28] =	ssyncadd.s32 @!p0 $0xFFFFE000  }
0xc3: {  	[spmem:s29] =	stream.linear.scatter @!p0 [tilespmem:s26], [sflag:$0x5], $0x2000, $0x38;
	[tilespmem:$0x1D900] =	vst v63  }
0xc4: {  	_ =	swait.ge @!p0 [sflag:s28], $0x2000  }
0xc5: {  	[sflag:s28] =	ssyncset.done @!p0 $0x0  }
0xc6: {  	s29 =	rddreg [dreg:$0xe];
	[sflag:s28] =	ssyncadd.s32 @!p0 $0xFFFFE000  }
0xc7: {  	[spmem:s29] =	stream.linear.scatter @!p0 [tilespmem:s26], [sflag:$0x5], $0x2000, $0x38;
	[tilespmem:$0x1D900] =	vst v63  }
0xc8: {  	_ =	swait.ge @!p0 [sflag:s28], $0x2000  }
0xc9: {  	[sflag:s28] =	ssyncset.done @!p0 $0x0  }
0xca: {  	[sflag:s28] =	ssyncadd.s32 @!p0 $0xFFFFE000  }
0xcb: {  	v3 =	vld [tilespmem:$0x0];
	_ =	sdelay $0x4  }
0xcc: {  	v36 =	vshll.u32 v3, $0x3  }
0xcd: {  	v3 =	vand.u32 $0x7, v3;
	v4 =	vand.u32 $0xFFFFFFC0, v36  }
0xce: {  	v3 =	vor.u32 v3, v4  }
0xcf: {  	v4 =	vperm.xlane v3, v0;
	_ =	sdelay $0x1  }
0xd0: {  	v4 =	vadd.s32 v1, v4;
	_ =	sdelay $0x3  }
0xd1: {  	s18 =	simm.s32 $0x900  }
0xd2: {  	[tilespmem:s18], [sflag:$0x2] =	stream.indirect_vreg.gather [hbm4b:s0+s5], $0x80, v4, vm0, $0xb8;
	[tilespmem:$0x1D900] =	vst v63  }
0xd3: {  	s19 =	simm.s32 $0x1100;
	v3 =	vperm.xlane v3, v2  }
0xd4: {  	[tilespmem:s19], [sflag:$0x2] =	stream.indirect_vreg.gather [hbm4b:s9+s5], $0x80, v4, vm0, $0xb8;
	[tilespmem:$0x1D900] =	vst v63  }
0xd5: {  	s21 =	simm.s32 $0x1900;
	v3 =	vadd.s32 v1, v3  }
0xd6: {  	[tilespmem:s21], [sflag:$0x2] =	stream.indirect_vreg.gather [hbm4b:s10+s5], $0x80, v4, vm0, $0xb8;
	[tilespmem:$0x1D900] =	vst v63  }
0xd7: {  	s22 =	simm.s32 $0x2100  }
0xd8: {  	[tilespmem:s22], [sflag:$0x2] =	stream.indirect_vreg.gather [hbm4b:s11+s5], $0x80, v4, vm0, $0xb8;
	[tilespmem:$0x1D900] =	vst v63  }
0xd9: {  	s23 =	simm.s32 $0x2900  }
0xda: {  	[tilespmem:s23], [sflag:$0x2] =	stream.indirect_vreg.gather [hbm4b:s0+s5], $0x80, v3, vm0, $0xb8;
	[tilespmem:$0x1D900] =	vst v63  }
0xdb: {  	s26 =	simm.s32 $0x3100  }
0xdc: {  	[tilespmem:s26], [sflag:$0x2] =	stream.indirect_vreg.gather [hbm4b:s9+s5], $0x80, v3, vm0, $0xb8;
	[tilespmem:$0x1D900] =	vst v63  }
0xdd: {  	s28 =	simm.s32 $0x3900  }
0xde: {  	[tilespmem:s28], [sflag:$0x2] =	stream.indirect_vreg.gather [hbm4b:s10+s5], $0x80, v3, vm0, $0xb8;
	[tilespmem:$0x1D900] =	vst v63  }
0xdf: {  	s29 =	simm.s32 $0x4100  }
0xe0: {  	[tilespmem:s29], [sflag:$0x2] =	stream.indirect_vreg.gather [hbm4b:s11+s5], $0x80, v3, vm0, $0xb8;
	[tilespmem:$0x1D900] =	vst v63  }
0xe1: {  	v3 =	vld [tilespmem:$0x10];
	_ =	sdelay $0x4  }
0xe2: {  	v37 =	vshll.u32 v3, $0x3  }
0xe3: {  	v3 =	vand.u32 $0x7, v3;
	v4 =	vand.u32 $0xFFFFFFC0, v37  }
0xe4: {  	v3 =	vor.u32 v3, v4  }
0xe5: {  	v4 =	vperm.xlane v3, v0;
	_ =	sdelay $0x1  }
0xe6: {  	v4 =	vadd.s32 v1, v4;
	_ =	sdelay $0x3  }
0xe7: {  	s30 =	simm.s32 $0x4900  }
0xe8: {  	[tilespmem:s30], [sflag:$0x2] =	stream.indirect_vreg.gather [hbm4b:s0+s5], $0x80, v4, vm0, $0xb8;
	[tilespmem:$0x1D900] =	vst v63  }
0xe9: {  	s12 =	simm.s32 $0x5100;
	v3 =	vperm.xlane v3, v2  }
0xea: {  	[tilespmem:s12], [sflag:$0x2] =	stream.indirect_vreg.gather [hbm4b:s9+s5], $0x80, v4, vm0, $0xb8;
	[tilespmem:$0x1D900] =	vst v63  }
0xeb: {  	s13 =	simm.s32 $0x5900;
	v3 =	vadd.s32 v1, v3  }
0xec: {  	[tilespmem:s13], [sflag:$0x2] =	stream.indirect_vreg.gather [hbm4b:s10+s5], $0x80, v4, vm0, $0xb8;
	[tilespmem:$0x1D900] =	vst v63  }
0xed: {  	s14 =	simm.s32 $0x6100  }
0xee: {  	[tilespmem:s14], [sflag:$0x2] =	stream.indirect_vreg.gather [hbm4b:s11+s5], $0x80, v4, vm0, $0xb8;
	[tilespmem:$0x1D900] =	vst v63  }
0xef: {  	s15 =	simm.s32 $0x6900  }
0xf0: {  	[tilespmem:s15], [sflag:$0x2] =	stream.indirect_vreg.gather [hbm4b:s0+s5], $0x80, v3, vm0, $0xb8;
	[tilespmem:$0x1D900] =	vst v63  }
0xf1: {  	s16 =	simm.s32 $0x7100  }
0xf2: {  	[tilespmem:s16], [sflag:$0x2] =	stream.indirect_vreg.gather [hbm4b:s9+s5], $0x80, v3, vm0, $0xb8;
	[tilespmem:$0x1D900] =	vst v63  }
0xf3: {  	s21 =	simm.s32 $0x7900  }
0xf4: {  	[tilespmem:s21], [sflag:$0x2] =	stream.indirect_vreg.gather [hbm4b:s10+s5], $0x80, v3, vm0, $0xb8;
	[tilespmem:$0x1D900] =	vst v63  }
0xf5: {  	s22 =	simm.s32 $0x8100  }
0xf6: {  	[tilespmem:s22], [sflag:$0x2] =	stream.indirect_vreg.gather [hbm4b:s11+s5], $0x80, v3, vm0, $0xb8;
	[tilespmem:$0x1D900] =	vst v63  }
0xf7: {  	v3 =	vld [tilespmem:$0x20];
	_ =	sdelay $0x4  }
0xf8: {  	v38 =	vshll.u32 v3, $0x3  }
0xf9: {  	v3 =	vand.u32 $0x7, v3;
	v4 =	vand.u32 $0xFFFFFFC0, v38  }
0xfa: {  	v3 =	vor.u32 v3, v4  }
0xfb: {  	v4 =	vperm.xlane v3, v0;
	_ =	sdelay $0x1  }
0xfc: {  	v4 =	vadd.s32 v1, v4;
	_ =	sdelay $0x3  }
0xfd: {  	s26 =	simm.s32 $0x8900  }
0xfe: {  	[tilespmem:s26], [sflag:$0x2] =	stream.indirect_vreg.gather [hbm4b:s0+s5], $0x80, v4, vm0, $0xb8;
	[tilespmem:$0x1D900] =	vst v63  }
0xff: {  	s30 =	simm.s32 $0x9100;
	v3 =	vperm.xlane v3, v2  }
0x100: {  	[tilespmem:s30], [sflag:$0x2] =	stream.indirect_vreg.gather [hbm4b:s9+s5], $0x80, v4, vm0, $0xb8;
	[tilespmem:$0x1D900] =	vst v63  }
0x101: {  	s12 =	simm.s32 $0x9900;
	v3 =	vadd.s32 v1, v3  }
0x102: {  	[tilespmem:s12], [sflag:$0x2] =	stream.indirect_vreg.gather [hbm4b:s10+s5], $0x80, v4, vm0, $0xb8;
	[tilespmem:$0x1D900] =	vst v63  }
0x103: {  	s13 =	simm.s32 $0xA100  }
0x104: {  	[tilespmem:s13], [sflag:$0x2] =	stream.indirect_vreg.gather [hbm4b:s11+s5], $0x80, v4, vm0, $0xb8;
	[tilespmem:$0x1D900] =	vst v63  }
0x105: {  	s14 =	simm.s32 $0xA900  }
0x106: {  	[tilespmem:s14], [sflag:$0x2] =	stream.indirect_vreg.gather [hbm4b:s0+s5], $0x80, v3, vm0, $0xb8;
	[tilespmem:$0x1D900] =	vst v63  }
0x107: {  	s15 =	simm.s32 $0xB100  }
0x108: {  	[tilespmem:s15], [sflag:$0x2] =	stream.indirect_vreg.gather [hbm4b:s9+s5], $0x80, v3, vm0, $0xb8;
	[tilespmem:$0x1D900] =	vst v63  }
0x109: {  	s16 =	simm.s32 $0xB900  }
0x10a: {  	[tilespmem:s16], [sflag:$0x2] =	stream.indirect_vreg.gather [hbm4b:s10+s5], $0x80, v3, vm0, $0xb8;
	[tilespmem:$0x1D900] =	vst v63  }
0x10b: {  	s26 =	simm.s32 $0xC100  }
0x10c: {  	[tilespmem:s26], [sflag:$0x2] =	stream.indirect_vreg.gather [hbm4b:s11+s5], $0x80, v3, vm0, $0xb8;
	[tilespmem:$0x1D900] =	vst v63  }
0x10d: {  	v3 =	vld [tilespmem:$0x30];
	_ =	sdelay $0x4  }
0x10e: {  	v39 =	vshll.u32 v3, $0x3  }
0x10f: {  	v3 =	vand.u32 $0x7, v3;
	v4 =	vand.u32 $0xFFFFFFC0, v39  }
0x110: {  	v3 =	vor.u32 v3, v4  }
0x111: {  	v4 =	vperm.xlane v3, v0;
	_ =	sdelay $0x1  }
0x112: {  	v4 =	vadd.s32 v1, v4;
	_ =	sdelay $0x3  }
0x113: {  	s30 =	simm.s32 $0xC900  }
0x114: {  	[tilespmem:s30], [sflag:$0x2] =	stream.indirect_vreg.gather [hbm4b:s0+s5], $0x80, v4, vm0, $0xb8;
	[tilespmem:$0x1D900] =	vst v63  }
0x115: {  	s13 =	simm.s32 $0xD100;
	v3 =	vperm.xlane v3, v2  }
0x116: {  	[tilespmem:s13], [sflag:$0x2] =	stream.indirect_vreg.gather [hbm4b:s9+s5], $0x80, v4, vm0, $0xb8;
	[tilespmem:$0x1D900] =	vst v63  }
0x117: {  	s26 =	simm.s32 $0xD900;
	v3 =	vadd.s32 v1, v3  }
0x118: {  	[tilespmem:s26], [sflag:$0x2] =	stream.indirect_vreg.gather [hbm4b:s10+s5], $0x80, v4, vm0, $0xb8;
	[tilespmem:$0x1D900] =	vst v63  }
0x119: {  	s30 =	simm.s32 $0xE100  }
0x11a: {  	[tilespmem:s30], [sflag:$0x2] =	stream.indirect_vreg.gather [hbm4b:s11+s5], $0x80, v4, vm0, $0xb8;
	[tilespmem:$0x1D900] =	vst v63  }
0x11b: {  	s13 =	simm.s32 $0xE900  }
0x11c: {  	[tilespmem:s13], [sflag:$0x2] =	stream.indirect_vreg.gather [hbm4b:s0+s5], $0x80, v3, vm0, $0xb8;
	[tilespmem:$0x1D900] =	vst v63  }
0x11d: {  	s26 =	simm.s32 $0xF100  }
0x11e: {  	[tilespmem:s26], [sflag:$0x2] =	stream.indirect_vreg.gather [hbm4b:s9+s5], $0x80, v3, vm0, $0xb8;
	[tilespmem:$0x1D900] =	vst v63  }
0x11f: {  	s30 =	simm.s32 $0xF900  }
0x120: {  	[tilespmem:s30], [sflag:$0x2] =	stream.indirect_vreg.gather [hbm4b:s10+s5], $0x80, v3, vm0, $0xb8;
	[tilespmem:$0x1D900] =	vst v63  }
0x121: {  	s13 =	simm.s32 $0x10100  }
0x122: {  	[tilespmem:s13], [sflag:$0x2] =	stream.indirect_vreg.gather [hbm4b:s11+s5], $0x80, v3, vm0, $0xb8;
	[tilespmem:$0x1D900] =	vst v63  }
0x123: {  	v3 =	vld [tilespmem:$0x40];
	_ =	sdelay $0x4  }
0x124: {  	v40 =	vshll.u32 v3, $0x3  }
0x125: {  	v3 =	vand.u32 $0x7, v3;
	v4 =	vand.u32 $0xFFFFFFC0, v40  }
0x126: {  	v3 =	vor.u32 v3, v4  }
0x127: {  	v4 =	vperm.xlane v3, v0;
	_ =	sdelay $0x1  }
0x128: {  	v4 =	vadd.s32 v1, v4;
	_ =	sdelay $0x3  }
0x129: {  	s26 =	simm.s32 $0x10900  }
0x12a: {  	[tilespmem:s26], [sflag:$0x2] =	stream.indirect_vreg.gather [hbm4b:s0+s5], $0x80, v4, vm0, $0xb8;
	[tilespmem:$0x1D900] =	vst v63  }
0x12b: {  	s30 =	simm.s32 $0x11100;
	v3 =	vperm.xlane v3, v2  }
0x12c: {  	[tilespmem:s30], [sflag:$0x2] =	stream.indirect_vreg.gather [hbm4b:s9+s5], $0x80, v4, vm0, $0xb8;
	[tilespmem:$0x1D900] =	vst v63  }
0x12d: {  	s13 =	simm.s32 $0x11900;
	v3 =	vadd.s32 v1, v3  }
0x12e: {  	[tilespmem:s13], [sflag:$0x2] =	stream.indirect_vreg.gather [hbm4b:s10+s5], $0x80, v4, vm0, $0xb8;
	[tilespmem:$0x1D900] =	vst v63  }
0x12f: {  	s26 =	simm.s32 $0x12100  }
0x130: {  	[tilespmem:s26], [sflag:$0x2] =	stream.indirect_vreg.gather [hbm4b:s11+s5], $0x80, v4, vm0, $0xb8;
	[tilespmem:$0x1D900] =	vst v63  }
0x131: {  	s30 =	simm.s32 $0x12900  }
0x132: {  	[tilespmem:s30], [sflag:$0x2] =	stream.indirect_vreg.gather [hbm4b:s0+s5], $0x80, v3, vm0, $0xb8;
	[tilespmem:$0x1D900] =	vst v63  }
0x133: {  	s13 =	simm.s32 $0x13100  }
0x134: {  	[tilespmem:s13], [sflag:$0x2] =	stream.indirect_vreg.gather [hbm4b:s9+s5], $0x80, v3, vm0, $0xb8;
	[tilespmem:$0x1D900] =	vst v63  }
0x135: {  	s30 =	simm.s32 $0x13900  }
0x136: {  	[tilespmem:s30], [sflag:$0x2] =	stream.indirect_vreg.gather [hbm4b:s10+s5], $0x80, v3, vm0, $0xb8;
	[tilespmem:$0x1D900] =	vst v63  }
0x137: {  	s13 =	simm.s32 $0x14100  }
0x138: {  	[tilespmem:s13], [sflag:$0x2] =	stream.indirect_vreg.gather [hbm4b:s11+s5], $0x80, v3, vm0, $0xb8;
	[tilespmem:$0x1D900] =	vst v63  }
0x139: {  	v3 =	vld [tilespmem:$0x50];
	_ =	sdelay $0x4  }
0x13a: {  	v41 =	vshll.u32 v3, $0x3  }
0x13b: {  	v3 =	vand.u32 $0x7, v3;
	v4 =	vand.u32 $0xFFFFFFC0, v41  }
0x13c: {  	v3 =	vor.u32 v3, v4  }
0x13d: {  	v4 =	vperm.xlane v3, v0;
	_ =	sdelay $0x1  }
0x13e: {  	v4 =	vadd.s32 v1, v4;
	_ =	sdelay $0x3  }
0x13f: {  	s13 =	simm.s32 $0x14900  }
0x140: {  	[tilespmem:s13], [sflag:$0x2] =	stream.indirect_vreg.gather [hbm4b:s0+s5], $0x80, v4, vm0, $0xb8;
	[tilespmem:$0x1D900] =	vst v63  }
0x141: {  	v3 =	vperm.xlane v3, v2;
	s13 =	simm.s32 $0x15100  }
0x142: {  	[tilespmem:s13], [sflag:$0x2] =	stream.indirect_vreg.gather [hbm4b:s9+s5], $0x80, v4, vm0, $0xb8;
	[tilespmem:$0x1D900] =	vst v63  }
0x143: {  	v3 =	vadd.s32 v1, v3;
	s13 =	simm.s32 $0x15900  }
0x144: {  	[tilespmem:s13], [sflag:$0x2] =	stream.indirect_vreg.gather [hbm4b:s10+s5], $0x80, v4, vm0, $0xb8;
	[tilespmem:$0x1D900] =	vst v63  }
0x145: {  	s13 =	simm.s32 $0x16100  }
0x146: {  	[tilespmem:s13], [sflag:$0x2] =	stream.indirect_vreg.gather [hbm4b:s11+s5], $0x80, v4, vm0, $0xb8;
	[tilespmem:$0x1D900] =	vst v63  }
0x147: {  	s13 =	simm.s32 $0x16900  }
0x148: {  	[tilespmem:s13], [sflag:$0x2] =	stream.indirect_vreg.gather [hbm4b:s0+s5], $0x80, v3, vm0, $0xb8;
	[tilespmem:$0x1D900] =	vst v63  }
0x149: {  	s13 =	simm.s32 $0x17100  }
0x14a: {  	[tilespmem:s13], [sflag:$0x2] =	stream.indirect_vreg.gather [hbm4b:s9+s5], $0x80, v3, vm0, $0xb8;
	[tilespmem:$0x1D900] =	vst v63  }
0x14b: {  	s13 =	simm.s32 $0x17900  }
0x14c: {  	[tilespmem:s13], [sflag:$0x2] =	stream.indirect_vreg.gather [hbm4b:s10+s5], $0x80, v3, vm0, $0xb8;
	[tilespmem:$0x1D900] =	vst v63  }
0x14d: {  	s13 =	simm.s32 $0x18100  }
0x14e: {  	[tilespmem:s13], [sflag:$0x2] =	stream.indirect_vreg.gather [hbm4b:s11+s5], $0x80, v3, vm0, $0xb8;
	[tilespmem:$0x1D900] =	vst v63  }
0x14f: {  	v3 =	vld.msk [tilespmem:$0x60], $0xff;
	_ =	sdelay $0x4  }
0x150: {  	v42 =	vshll.u32 v3, $0x3  }
0x151: {  	v3 =	vand.u32 $0x7, v3;
	v4 =	vand.u32 $0xFFFFFFC0, v42  }
0x152: {  	v3 =	vor.u32 v3, v4  }
0x153: {  	v3 =	vperm.xlane v3, v0;
	_ =	sdelay $0x1  }
0x154: {  	v3 =	vadd.s32 v1, v3;
	_ =	sdelay $0x3  }
0x155: {  	s13 =	simm.s32 $0x18900  }
0x156: {  	[tilespmem:s13], [sflag:$0x2] =	stream.indirect_vreg.gather [hbm4b:s0+s5], $0x80, v3, vm0, $0xb8;
	[tilespmem:$0x1D900] =	vst v63  }
0x157: {  	s13 =	simm.s32 $0x19100  }
0x158: {  	[tilespmem:s13], [sflag:$0x2] =	stream.indirect_vreg.gather [hbm4b:s9+s5], $0x80, v3, vm0, $0xb8;
	[tilespmem:$0x1D900] =	vst v63  }
0x159: {  	s13 =	simm.s32 $0x19900  }
0x15a: {  	[tilespmem:s13], [sflag:$0x2] =	stream.indirect_vreg.gather [hbm4b:s10+s5], $0x80, v3, vm0, $0xb8;
	[tilespmem:$0x1D900] =	vst v63  }
0x15b: {  	s2 =	simm.s32 $0x2;
	s13 =	simm.s32 $0x1A100  }
0x15c: {  	[tilespmem:s13], [sflag:$0x2] =	stream.indirect_vreg.gather [hbm4b:s11+s5], $0x80, v3, vm0, $0xb8;
	[tilespmem:$0x1D900] =	vst v63  }
0x15d: {  	_ =	swait.ge [sflag:s2], $0x1A000  }
0x15e: {  	[sflag:s2] =	ssyncset.done $0x0  }
0x15f: {  	[sflag:s2] =	ssyncadd.s32 $0xFFFE6000  }
0x160: {  	v3 =	vld [tilespmem:$0x0];
	_ =	sdelay $0x4  }
0x161: {  	v43 =	vshll.u32 v3, $0x3  }
0x162: {  	v3 =	vand.u32 $0x7, v3;
	v4 =	vand.u32 $0xFFFFFFC0, v43  }
0x163: {  	v3 =	vor.u32 v3, v4  }
0x164: {  	v4 =	vperm.xlane v3, v0;
	_ =	sdelay $0x1  }
0x165: {  	v4 =	vadd.s32 v1, v4;
	_ =	sdelay $0x3  }
0x166: {  	s20 =	simm.s32 $0x900  }
0x167: {  	[hbm4b:s1+s5] =	stream.indirect_vreg.scatter [tilespmem:s20], [sflag:$0x3], $0x80, v4, vm0, $0xb8;
	[tilespmem:$0x1D900] =	vst v63  }
0x168: {  	v3 =	vperm.xlane v3, v2;
	s20 =	simm.s32 $0x1100  }
0x169: {  	[hbm4b:s6+s5] =	stream.indirect_vreg.scatter [tilespmem:s20], [sflag:$0x3], $0x80, v4, vm0, $0xb8;
	[tilespmem:$0x1D900] =	vst v63  }
0x16a: {  	v3 =	vadd.s32 v1, v3;
	s20 =	simm.s32 $0x1900  }
0x16b: {  	[hbm4b:s7+s5] =	stream.indirect_vreg.scatter [tilespmem:s20], [sflag:$0x3], $0x80, v4, vm0, $0xb8;
	[tilespmem:$0x1D900] =	vst v63  }
0x16c: {  	s19 =	simm.s32 $0x2100  }
0x16d: {  	[hbm4b:s8+s5] =	stream.indirect_vreg.scatter [tilespmem:s19], [sflag:$0x3], $0x80, v4, vm0, $0xb8;
	[tilespmem:$0x1D900] =	vst v63  }
0x16e: {  	s3 =	simm.s32 $0x2900  }
0x16f: {  	[hbm4b:s1+s5] =	stream.indirect_vreg.scatter [tilespmem:s3], [sflag:$0x3], $0x80, v3, vm0, $0xb8;
	[tilespmem:$0x1D900] =	vst v63  }
0x170: {  	s4 =	simm.s32 $0x3100  }
0x171: {  	[hbm4b:s6+s5] =	stream.indirect_vreg.scatter [tilespmem:s4], [sflag:$0x3], $0x80, v3, vm0, $0xb8;
	[tilespmem:$0x1D900] =	vst v63  }
0x172: {  	s31 =	simm.s32 $0x3900  }
0x173: {  	[hbm4b:s7+s5] =	stream.indirect_vreg.scatter [tilespmem:s31], [sflag:$0x3], $0x80, v3, vm0, $0xb8;
	[tilespmem:$0x1D900] =	vst v63  }
0x174: {  	s23 =	simm.s32 $0x4100  }
0x175: {  	[hbm4b:s8+s5] =	stream.indirect_vreg.scatter [tilespmem:s23], [sflag:$0x3], $0x80, v3, vm0, $0xb8;
	[tilespmem:$0x1D900] =	vst v63  }
0x176: {  	v3 =	vld [tilespmem:$0x10];
	_ =	sdelay $0x4  }
0x177: {  	v44 =	vshll.u32 v3, $0x3  }
0x178: {  	v3 =	vand.u32 $0x7, v3;
	v4 =	vand.u32 $0xFFFFFFC0, v44  }
0x179: {  	v3 =	vor.u32 v3, v4  }
0x17a: {  	v4 =	vperm.xlane v3, v0;
	_ =	sdelay $0x1  }
0x17b: {  	v4 =	vadd.s32 v1, v4;
	_ =	sdelay $0x3  }
0x17c: {  	s28 =	simm.s32 $0x4900  }
0x17d: {  	[hbm4b:s1+s5] =	stream.indirect_vreg.scatter [tilespmem:s28], [sflag:$0x3], $0x80, v4, vm0, $0xb8;
	[tilespmem:$0x1D900] =	vst v63  }
0x17e: {  	s29 =	simm.s32 $0x5100;
	v3 =	vperm.xlane v3, v2  }
0x17f: {  	[hbm4b:s6+s5] =	stream.indirect_vreg.scatter [tilespmem:s29], [sflag:$0x3], $0x80, v4, vm0, $0xb8;
	[tilespmem:$0x1D900] =	vst v63  }
0x180: {  	s17 =	simm.s32 $0x5900;
	v3 =	vadd.s32 v1, v3  }
0x181: {  	[hbm4b:s7+s5] =	stream.indirect_vreg.scatter [tilespmem:s17], [sflag:$0x3], $0x80, v4, vm0, $0xb8;
	[tilespmem:$0x1D900] =	vst v63  }
0x182: {  	s18 =	simm.s32 $0x6100  }
0x183: {  	[hbm4b:s8+s5] =	stream.indirect_vreg.scatter [tilespmem:s18], [sflag:$0x3], $0x80, v4, vm0, $0xb8;
	[tilespmem:$0x1D900] =	vst v63  }
0x184: {  	s19 =	simm.s32 $0x6900  }
0x185: {  	[hbm4b:s1+s5] =	stream.indirect_vreg.scatter [tilespmem:s19], [sflag:$0x3], $0x80, v3, vm0, $0xb8;
	[tilespmem:$0x1D900] =	vst v63  }
0x186: {  	s17 =	simm.s32 $0x7100  }
0x187: {  	[hbm4b:s6+s5] =	stream.indirect_vreg.scatter [tilespmem:s17], [sflag:$0x3], $0x80, v3, vm0, $0xb8;
	[tilespmem:$0x1D900] =	vst v63  }
0x188: {  	s18 =	simm.s32 $0x7900  }
0x189: {  	[hbm4b:s7+s5] =	stream.indirect_vreg.scatter [tilespmem:s18], [sflag:$0x3], $0x80, v3, vm0, $0xb8;
	[tilespmem:$0x1D900] =	vst v63  }
0x18a: {  	s21 =	simm.s32 $0x8100  }
0x18b: {  	[hbm4b:s8+s5] =	stream.indirect_vreg.scatter [tilespmem:s21], [sflag:$0x3], $0x80, v3, vm0, $0xb8;
	[tilespmem:$0x1D900] =	vst v63  }
0x18c: {  	v3 =	vld [tilespmem:$0x20];
	_ =	sdelay $0x4  }
0x18d: {  	v45 =	vshll.u32 v3, $0x3  }
0x18e: {  	v3 =	vand.u32 $0x7, v3;
	v4 =	vand.u32 $0xFFFFFFC0, v45  }
0x18f: {  	v3 =	vor.u32 v3, v4  }
0x190: {  	v4 =	vperm.xlane v3, v0;
	_ =	sdelay $0x1  }
0x191: {  	v4 =	vadd.s32 v1, v4;
	_ =	sdelay $0x3  }
0x192: {  	s22 =	simm.s32 $0x8900  }
0x193: {  	[hbm4b:s1+s5] =	stream.indirect_vreg.scatter [tilespmem:s22], [sflag:$0x3], $0x80, v4, vm0, $0xb8;
	[tilespmem:$0x1D900] =	vst v63  }
0x194: {  	s23 =	simm.s32 $0x9100;
	v3 =	vperm.xlane v3, v2  }
0x195: {  	[hbm4b:s6+s5] =	stream.indirect_vreg.scatter [tilespmem:s23], [sflag:$0x3], $0x80, v4, vm0, $0xb8;
	[tilespmem:$0x1D900] =	vst v63  }
0x196: {  	s28 =	simm.s32 $0x9900;
	v3 =	vadd.s32 v1, v3  }
0x197: {  	[hbm4b:s7+s5] =	stream.indirect_vreg.scatter [tilespmem:s28], [sflag:$0x3], $0x80, v4, vm0, $0xb8;
	[tilespmem:$0x1D900] =	vst v63  }
0x198: {  	s12 =	simm.s32 $0xA100  }
0x199: {  	[hbm4b:s8+s5] =	stream.indirect_vreg.scatter [tilespmem:s12], [sflag:$0x3], $0x80, v4, vm0, $0xb8;
	[tilespmem:$0x1D900] =	vst v63  }
0x19a: {  	s14 =	simm.s32 $0xA900  }
0x19b: {  	[hbm4b:s1+s5] =	stream.indirect_vreg.scatter [tilespmem:s14], [sflag:$0x3], $0x80, v3, vm0, $0xb8;
	[tilespmem:$0x1D900] =	vst v63  }
0x19c: {  	s15 =	simm.s32 $0xB100  }
0x19d: {  	[hbm4b:s6+s5] =	stream.indirect_vreg.scatter [tilespmem:s15], [sflag:$0x3], $0x80, v3, vm0, $0xb8;
	[tilespmem:$0x1D900] =	vst v63  }
0x19e: {  	s16 =	simm.s32 $0xB900  }
0x19f: {  	[hbm4b:s7+s5] =	stream.indirect_vreg.scatter [tilespmem:s16], [sflag:$0x3], $0x80, v3, vm0, $0xb8;
	[tilespmem:$0x1D900] =	vst v63  }
0x1a0: {  	s21 =	simm.s32 $0xC100  }
0x1a1: {  	[hbm4b:s8+s5] =	stream.indirect_vreg.scatter [tilespmem:s21], [sflag:$0x3], $0x80, v3, vm0, $0xb8;
	[tilespmem:$0x1D900] =	vst v63  }
0x1a2: {  	v3 =	vld [tilespmem:$0x30];
	_ =	sdelay $0x4  }
0x1a3: {  	v46 =	vshll.u32 v3, $0x3  }
0x1a4: {  	v3 =	vand.u32 $0x7, v3;
	v4 =	vand.u32 $0xFFFFFFC0, v46  }
0x1a5: {  	v3 =	vor.u32 v3, v4  }
0x1a6: {  	v4 =	vperm.xlane v3, v0;
	_ =	sdelay $0x1  }
0x1a7: {  	v4 =	vadd.s32 v1, v4;
	_ =	sdelay $0x3  }
0x1a8: {  	s22 =	simm.s32 $0xC900  }
0x1a9: {  	[hbm4b:s1+s5] =	stream.indirect_vreg.scatter [tilespmem:s22], [sflag:$0x3], $0x80, v4, vm0, $0xb8;
	[tilespmem:$0x1D900] =	vst v63  }
0x1aa: {  	s23 =	simm.s32 $0xD100;
	v3 =	vperm.xlane v3, v2  }
0x1ab: {  	[hbm4b:s6+s5] =	stream.indirect_vreg.scatter [tilespmem:s23], [sflag:$0x3], $0x80, v4, vm0, $0xb8;
	[tilespmem:$0x1D900] =	vst v63  }
0x1ac: {  	s29 =	simm.s32 $0xD900;
	v3 =	vadd.s32 v1, v3  }
0x1ad: {  	[hbm4b:s7+s5] =	stream.indirect_vreg.scatter [tilespmem:s29], [sflag:$0x3], $0x80, v4, vm0, $0xb8;
	[tilespmem:$0x1D900] =	vst v63  }
0x1ae: {  	s31 =	simm.s32 $0xE100  }
0x1af: {  	[hbm4b:s8+s5] =	stream.indirect_vreg.scatter [tilespmem:s31], [sflag:$0x3], $0x80, v4, vm0, $0xb8;
	[tilespmem:$0x1D900] =	vst v63  }
0x1b0: {  	s4 =	simm.s32 $0xE900  }
0x1b1: {  	[hbm4b:s1+s5] =	stream.indirect_vreg.scatter [tilespmem:s4], [sflag:$0x3], $0x80, v3, vm0, $0xb8;
	[tilespmem:$0x1D900] =	vst v63  }
0x1b2: {  	s12 =	simm.s32 $0xF100  }
0x1b3: {  	[hbm4b:s6+s5] =	stream.indirect_vreg.scatter [tilespmem:s12], [sflag:$0x3], $0x80, v3, vm0, $0xb8;
	[tilespmem:$0x1D900] =	vst v63  }
0x1b4: {  	s14 =	simm.s32 $0xF900  }
0x1b5: {  	[hbm4b:s7+s5] =	stream.indirect_vreg.scatter [tilespmem:s14], [sflag:$0x3], $0x80, v3, vm0, $0xb8;
	[tilespmem:$0x1D900] =	vst v63  }
0x1b6: {  	s4 =	simm.s32 $0x10100  }
0x1b7: {  	[hbm4b:s8+s5] =	stream.indirect_vreg.scatter [tilespmem:s4], [sflag:$0x3], $0x80, v3, vm0, $0xb8;
	[tilespmem:$0x1D900] =	vst v63  }
0x1b8: {  	v3 =	vld [tilespmem:$0x40];
	_ =	sdelay $0x4  }
0x1b9: {  	v47 =	vshll.u32 v3, $0x3  }
0x1ba: {  	v3 =	vand.u32 $0x7, v3;
	v4 =	vand.u32 $0xFFFFFFC0, v47  }
0x1bb: {  	v3 =	vor.u32 v3, v4  }
0x1bc: {  	v4 =	vperm.xlane v3, v0;
	_ =	sdelay $0x1  }
0x1bd: {  	v4 =	vadd.s32 v1, v4;
	_ =	sdelay $0x3  }
0x1be: {  	s28 =	simm.s32 $0x10900  }
0x1bf: {  	[hbm4b:s1+s5] =	stream.indirect_vreg.scatter [tilespmem:s28], [sflag:$0x3], $0x80, v4, vm0, $0xb8;
	[tilespmem:$0x1D900] =	vst v63  }
0x1c0: {  	s29 =	simm.s32 $0x11100;
	v3 =	vperm.xlane v3, v2  }
0x1c1: {  	[hbm4b:s6+s5] =	stream.indirect_vreg.scatter [tilespmem:s29], [sflag:$0x3], $0x80, v4, vm0, $0xb8;
	[tilespmem:$0x1D900] =	vst v63  }
0x1c2: {  	s15 =	simm.s32 $0x11900;
	v3 =	vadd.s32 v1, v3  }
0x1c3: {  	[hbm4b:s7+s5] =	stream.indirect_vreg.scatter [tilespmem:s15], [sflag:$0x3], $0x80, v4, vm0, $0xb8;
	[tilespmem:$0x1D900] =	vst v63  }
0x1c4: {  	s26 =	simm.s32 $0x12100  }
0x1c5: {  	[hbm4b:s8+s5] =	stream.indirect_vreg.scatter [tilespmem:s26], [sflag:$0x3], $0x80, v4, vm0, $0xb8;
	[tilespmem:$0x1D900] =	vst v63  }
0x1c6: {  	s16 =	simm.s32 $0x12900  }
0x1c7: {  	[hbm4b:s1+s5] =	stream.indirect_vreg.scatter [tilespmem:s16], [sflag:$0x3], $0x80, v3, vm0, $0xb8;
	[tilespmem:$0x1D900] =	vst v63  }
0x1c8: {  	s26 =	simm.s32 $0x13100  }
0x1c9: {  	[hbm4b:s6+s5] =	stream.indirect_vreg.scatter [tilespmem:s26], [sflag:$0x3], $0x80, v3, vm0, $0xb8;
	[tilespmem:$0x1D900] =	vst v63  }
0x1ca: {  	s30 =	simm.s32 $0x13900  }
0x1cb: {  	[hbm4b:s7+s5] =	stream.indirect_vreg.scatter [tilespmem:s30], [sflag:$0x3], $0x80, v3, vm0, $0xb8;
	[tilespmem:$0x1D900] =	vst v63  }
0x1cc: {  	s12 =	simm.s32 $0x14100  }
0x1cd: {  	[hbm4b:s8+s5] =	stream.indirect_vreg.scatter [tilespmem:s12], [sflag:$0x3], $0x80, v3, vm0, $0xb8;
	[tilespmem:$0x1D900] =	vst v63  }
0x1ce: {  	v3 =	vld [tilespmem:$0x50];
	_ =	sdelay $0x4  }
0x1cf: {  	v48 =	vshll.u32 v3, $0x3  }
0x1d0: {  	v3 =	vand.u32 $0x7, v3;
	v4 =	vand.u32 $0xFFFFFFC0, v48  }
0x1d1: {  	v3 =	vor.u32 v3, v4  }
0x1d2: {  	v4 =	vperm.xlane v3, v0;
	_ =	sdelay $0x1  }
0x1d3: {  	v4 =	vadd.s32 v1, v4;
	_ =	sdelay $0x3  }
0x1d4: {  	s30 =	simm.s32 $0x14900  }
0x1d5: {  	[hbm4b:s1+s5] =	stream.indirect_vreg.scatter [tilespmem:s30], [sflag:$0x3], $0x80, v4, vm0, $0xb8;
	[tilespmem:$0x1D900] =	vst v63  }
0x1d6: {  	s31 =	simm.s32 $0x15100;
	v3 =	vperm.xlane v3, v2  }
0x1d7: {  	[hbm4b:s6+s5] =	stream.indirect_vreg.scatter [tilespmem:s31], [sflag:$0x3], $0x80, v4, vm0, $0xb8;
	[tilespmem:$0x1D900] =	vst v63  }
0x1d8: {  	v3 =	vadd.s32 v1, v3;
	s30 =	simm.s32 $0x15900  }
0x1d9: {  	[hbm4b:s7+s5] =	stream.indirect_vreg.scatter [tilespmem:s30], [sflag:$0x3], $0x80, v4, vm0, $0xb8;
	[tilespmem:$0x1D900] =	vst v63  }
0x1da: {  	s26 =	simm.s32 $0x16100  }
0x1db: {  	[hbm4b:s8+s5] =	stream.indirect_vreg.scatter [tilespmem:s26], [sflag:$0x3], $0x80, v4, vm0, $0xb8;
	[tilespmem:$0x1D900] =	vst v63  }
0x1dc: {  	s31 =	simm.s32 $0x16900  }
0x1dd: {  	[hbm4b:s1+s5] =	stream.indirect_vreg.scatter [tilespmem:s31], [sflag:$0x3], $0x80, v3, vm0, $0xb8;
	[tilespmem:$0x1D900] =	vst v63  }
0x1de: {  	s14 =	simm.s32 $0x17100  }
0x1df: {  	[hbm4b:s6+s5] =	stream.indirect_vreg.scatter [tilespmem:s14], [sflag:$0x3], $0x80, v3, vm0, $0xb8;
	[tilespmem:$0x1D900] =	vst v63  }
0x1e0: {  	s15 =	simm.s32 $0x17900  }
0x1e1: {  	[hbm4b:s7+s5] =	stream.indirect_vreg.scatter [tilespmem:s15], [sflag:$0x3], $0x80, v3, vm0, $0xb8;
	[tilespmem:$0x1D900] =	vst v63  }
0x1e2: {  	s16 =	simm.s32 $0x18100  }
0x1e3: {  	[hbm4b:s8+s5] =	stream.indirect_vreg.scatter [tilespmem:s16], [sflag:$0x3], $0x80, v3, vm0, $0xb8;
	[tilespmem:$0x1D900] =	vst v63  }
0x1e4: {  	v3 =	vld.msk [tilespmem:$0x60], $0xff;
	_ =	sdelay $0x4  }
0x1e5: {  	v49 =	vshll.u32 v3, $0x3  }
0x1e6: {  	v3 =	vand.u32 $0x7, v3;
	v4 =	vand.u32 $0xFFFFFFC0, v49  }
0x1e7: {  	v3 =	vor.u32 v3, v4  }
0x1e8: {  	v3 =	vperm.xlane v3, v0;
	_ =	sdelay $0x1  }
0x1e9: {  	v3 =	vadd.s32 v1, v3;
	_ =	sdelay $0x3  }
0x1ea: {  	s14 =	simm.s32 $0x18900  }
0x1eb: {  	[hbm4b:s1+s5] =	stream.indirect_vreg.scatter [tilespmem:s14], [sflag:$0x3], $0x80, v3, vm0, $0xb8;
	[tilespmem:$0x1D900] =	vst v63  }
0x1ec: {  	s15 =	simm.s32 $0x19100  }
0x1ed: {  	[hbm4b:s6+s5] =	stream.indirect_vreg.scatter [tilespmem:s15], [sflag:$0x3], $0x80, v3, vm0, $0xb8;
	[tilespmem:$0x1D900] =	vst v63  }
0x1ee: {  	s16 =	simm.s32 $0x19900  }
0x1ef: {  	[hbm4b:s7+s5] =	stream.indirect_vreg.scatter [tilespmem:s16], [sflag:$0x3], $0x80, v3, vm0, $0xb8;
	[tilespmem:$0x1D900] =	vst v63  }
0x1f0: {  	s3 =	simm.s32 $0x1A100  }
0x1f1: {  	[hbm4b:s8+s5] =	stream.indirect_vreg.scatter [tilespmem:s3], [sflag:$0x3], $0x80, v3, vm0, $0xb8;
	[tilespmem:$0x1D900] =	vst v63  }
0x1f2: {  	s3 =	simm.s32 $0x3  }
0x1f3: {  	_ =	swait.ge [sflag:s3], $0x1A000  }
0x1f4: {  	[sflag:s3] =	ssyncset.done $0x0  }
0x1f5: {  	[sflag:s3] =	ssyncadd.s32 $0xFFFE6000  }
0x1f6: {  	v3 =	vld [tilespmem:$0x80];
	_ =	sdelay $0x4  }
0x1f7: {  	v50 =	vshll.u32 v3, $0x3  }
0x1f8: {  	v3 =	vand.u32 $0x7, v3;
	v4 =	vand.u32 $0xFFFFFFC0, v50  }
0x1f9: {  	v3 =	vor.u32 v3, v4  }
0x1fa: {  	v4 =	vperm.xlane v3, v0;
	_ =	sdelay $0x1  }
0x1fb: {  	v4 =	vadd.s32 v1, v4;
	_ =	sdelay $0x3  }
0x1fc: {  	s13 =	simm.s32 $0x900  }
0x1fd: {  	[tilespmem:s13], [sflag:$0x2] =	stream.indirect_vreg.gather [hbm4b:s0+s5], $0x80, v4, vm0, $0xb8;
	[tilespmem:$0x1D900] =	vst v63  }
0x1fe: {  	v3 =	vperm.xlane v3, v2;
	s13 =	simm.s32 $0x1100  }
0x1ff: {  	[tilespmem:s13], [sflag:$0x2] =	stream.indirect_vreg.gather [hbm4b:s9+s5], $0x80, v4, vm0, $0xb8;
	[tilespmem:$0x1D900] =	vst v63  }
0x200: {  	v3 =	vadd.s32 v1, v3  }
0x201: {  	[tilespmem:s20], [sflag:$0x2] =	stream.indirect_vreg.gather [hbm4b:s10+s5], $0x80, v4, vm0, $0xb8;
	[tilespmem:$0x1D900] =	vst v63  }
0x202: {  	s13 =	simm.s32 $0x2100  }
0x203: {  	[tilespmem:s13], [sflag:$0x2] =	stream.indirect_vreg.gather [hbm4b:s11+s5], $0x80, v4, vm0, $0xb8;
	[tilespmem:$0x1D900] =	vst v63  }
0x204: {  	s13 =	simm.s32 $0x2900  }
0x205: {  	[tilespmem:s13], [sflag:$0x2] =	stream.indirect_vreg.gather [hbm4b:s0+s5], $0x80, v3, vm0, $0xb8;
	[tilespmem:$0x1D900] =	vst v63  }
0x206: {  	s13 =	simm.s32 $0x3100  }
0x207: {  	[tilespmem:s13], [sflag:$0x2] =	stream.indirect_vreg.gather [hbm4b:s9+s5], $0x80, v3, vm0, $0xb8;
	[tilespmem:$0x1D900] =	vst v63  }
0x208: {  	s13 =	simm.s32 $0x3900  }
0x209: {  	[tilespmem:s13], [sflag:$0x2] =	stream.indirect_vreg.gather [hbm4b:s10+s5], $0x80, v3, vm0, $0xb8;
	[tilespmem:$0x1D900] =	vst v63  }
0x20a: {  	s13 =	simm.s32 $0x4100  }
0x20b: {  	[tilespmem:s13], [sflag:$0x2] =	stream.indirect_vreg.gather [hbm4b:s11+s5], $0x80, v3, vm0, $0xb8;
	[tilespmem:$0x1D900] =	vst v63  }
0x20c: {  	v3 =	vld [tilespmem:$0x90];
	_ =	sdelay $0x4  }
0x20d: {  	v51 =	vshll.u32 v3, $0x3  }
0x20e: {  	v3 =	vand.u32 $0x7, v3;
	v4 =	vand.u32 $0xFFFFFFC0, v51  }
0x20f: {  	v3 =	vor.u32 v3, v4  }
0x210: {  	v4 =	vperm.xlane v3, v0;
	_ =	sdelay $0x1  }
0x211: {  	v4 =	vadd.s32 v1, v4;
	_ =	sdelay $0x3  }
0x212: {  	s13 =	simm.s32 $0x4900  }
0x213: {  	[tilespmem:s13], [sflag:$0x2] =	stream.indirect_vreg.gather [hbm4b:s0+s5], $0x80, v4, vm0, $0xb8;
	[tilespmem:$0x1D900] =	vst v63  }
0x214: {  	v3 =	vperm.xlane v3, v2;
	s13 =	simm.s32 $0x5100  }
0x215: {  	[tilespmem:s13], [sflag:$0x2] =	stream.indirect_vreg.gather [hbm4b:s9+s5], $0x80, v4, vm0, $0xb8;
	[tilespmem:$0x1D900] =	vst v63  }
0x216: {  	v3 =	vadd.s32 v1, v3;
	s13 =	simm.s32 $0x5900  }
0x217: {  	[tilespmem:s13], [sflag:$0x2] =	stream.indirect_vreg.gather [hbm4b:s10+s5], $0x80, v4, vm0, $0xb8;
	[tilespmem:$0x1D900] =	vst v63  }
0x218: {  	s13 =	simm.s32 $0x6100  }
0x219: {  	[tilespmem:s13], [sflag:$0x2] =	stream.indirect_vreg.gather [hbm4b:s11+s5], $0x80, v4, vm0, $0xb8;
	[tilespmem:$0x1D900] =	vst v63  }
0x21a: {  	_ = 	snop  }
0x21b: {  	[tilespmem:s19], [sflag:$0x2] =	stream.indirect_vreg.gather [hbm4b:s0+s5], $0x80, v3, vm0, $0xb8;
	[tilespmem:$0x1D900] =	vst v63  }
0x21c: {  	_ = 	snop  }
0x21d: {  	[tilespmem:s17], [sflag:$0x2] =	stream.indirect_vreg.gather [hbm4b:s9+s5], $0x80, v3, vm0, $0xb8;
	[tilespmem:$0x1D900] =	vst v63  }
0x21e: {  	_ = 	snop  }
0x21f: {  	[tilespmem:s18], [sflag:$0x2] =	stream.indirect_vreg.gather [hbm4b:s10+s5], $0x80, v3, vm0, $0xb8;
	[tilespmem:$0x1D900] =	vst v63  }
0x220: {  	s13 =	simm.s32 $0x8100  }
0x221: {  	[tilespmem:s13], [sflag:$0x2] =	stream.indirect_vreg.gather [hbm4b:s11+s5], $0x80, v3, vm0, $0xb8;
	[tilespmem:$0x1D900] =	vst v63  }
0x222: {  	v3 =	vld [tilespmem:$0xA0];
	_ =	sdelay $0x4  }
0x223: {  	v52 =	vshll.u32 v3, $0x3  }
0x224: {  	v3 =	vand.u32 $0x7, v3;
	v4 =	vand.u32 $0xFFFFFFC0, v52  }
0x225: {  	v3 =	vor.u32 v3, v4  }
0x226: {  	v4 =	vperm.xlane v3, v0;
	_ =	sdelay $0x1  }
0x227: {  	v4 =	vadd.s32 v1, v4;
	_ =	sdelay $0x3  }
0x228: {  	s13 =	simm.s32 $0x8900  }
0x229: {  	[tilespmem:s13], [sflag:$0x2] =	stream.indirect_vreg.gather [hbm4b:s0+s5], $0x80, v4, vm0, $0xb8;
	[tilespmem:$0x1D900] =	vst v63  }
0x22a: {  	v3 =	vperm.xlane v3, v2;
	s13 =	simm.s32 $0x9100  }
0x22b: {  	[tilespmem:s13], [sflag:$0x2] =	stream.indirect_vreg.gather [hbm4b:s9+s5], $0x80, v4, vm0, $0xb8;
	[tilespmem:$0x1D900] =	vst v63  }
0x22c: {  	v3 =	vadd.s32 v1, v3;
	s13 =	simm.s32 $0x9900  }
0x22d: {  	[tilespmem:s13], [sflag:$0x2] =	stream.indirect_vreg.gather [hbm4b:s10+s5], $0x80, v4, vm0, $0xb8;
	[tilespmem:$0x1D900] =	vst v63  }
0x22e: {  	s13 =	simm.s32 $0xA100  }
0x22f: {  	[tilespmem:s13], [sflag:$0x2] =	stream.indirect_vreg.gather [hbm4b:s11+s5], $0x80, v4, vm0, $0xb8;
	[tilespmem:$0x1D900] =	vst v63  }
0x230: {  	s13 =	simm.s32 $0xA900  }
0x231: {  	[tilespmem:s13], [sflag:$0x2] =	stream.indirect_vreg.gather [hbm4b:s0+s5], $0x80, v3, vm0, $0xb8;
	[tilespmem:$0x1D900] =	vst v63  }
0x232: {  	s13 =	simm.s32 $0xB100  }
0x233: {  	[tilespmem:s13], [sflag:$0x2] =	stream.indirect_vreg.gather [hbm4b:s9+s5], $0x80, v3, vm0, $0xb8;
	[tilespmem:$0x1D900] =	vst v63  }
0x234: {  	s13 =	simm.s32 $0xB900  }
0x235: {  	[tilespmem:s13], [sflag:$0x2] =	stream.indirect_vreg.gather [hbm4b:s10+s5], $0x80, v3, vm0, $0xb8;
	[tilespmem:$0x1D900] =	vst v63  }
0x236: {  	_ = 	snop  }
0x237: {  	[tilespmem:s21], [sflag:$0x2] =	stream.indirect_vreg.gather [hbm4b:s11+s5], $0x80, v3, vm0, $0xb8;
	[tilespmem:$0x1D900] =	vst v63  }
0x238: {  	v3 =	vld [tilespmem:$0xB0];
	_ =	sdelay $0x4  }
0x239: {  	v53 =	vshll.u32 v3, $0x3  }
0x23a: {  	v3 =	vand.u32 $0x7, v3;
	v4 =	vand.u32 $0xFFFFFFC0, v53  }
0x23b: {  	v3 =	vor.u32 v3, v4  }
0x23c: {  	v4 =	vperm.xlane v3, v0;
	_ =	sdelay $0x1  }
0x23d: {  	v4 =	vadd.s32 v1, v4;
	_ =	sdelay $0x4  }
0x23e: {  	[tilespmem:s22], [sflag:$0x2] =	stream.indirect_vreg.gather [hbm4b:s0+s5], $0x80, v4, vm0, $0xb8;
	[tilespmem:$0x1D900] =	vst v63  }
0x23f: {  	v3 =	vperm.xlane v3, v2  }
0x240: {  	[tilespmem:s23], [sflag:$0x2] =	stream.indirect_vreg.gather [hbm4b:s9+s5], $0x80, v4, vm0, $0xb8;
	[tilespmem:$0x1D900] =	vst v63  }
0x241: {  	s13 =	simm.s32 $0xD900;
	v3 =	vadd.s32 v1, v3  }
0x242: {  	[tilespmem:s13], [sflag:$0x2] =	stream.indirect_vreg.gather [hbm4b:s10+s5], $0x80, v4, vm0, $0xb8;
	[tilespmem:$0x1D900] =	vst v63  }
0x243: {  	s13 =	simm.s32 $0xE100  }
0x244: {  	[tilespmem:s13], [sflag:$0x2] =	stream.indirect_vreg.gather [hbm4b:s11+s5], $0x80, v4, vm0, $0xb8;
	[tilespmem:$0x1D900] =	vst v63  }
0x245: {  	s13 =	simm.s32 $0xE900  }
0x246: {  	[tilespmem:s13], [sflag:$0x2] =	stream.indirect_vreg.gather [hbm4b:s0+s5], $0x80, v3, vm0, $0xb8;
	[tilespmem:$0x1D900] =	vst v63  }
0x247: {  	s13 =	simm.s32 $0xF100  }
0x248: {  	[tilespmem:s13], [sflag:$0x2] =	stream.indirect_vreg.gather [hbm4b:s9+s5], $0x80, v3, vm0, $0xb8;
	[tilespmem:$0x1D900] =	vst v63  }
0x249: {  	s13 =	simm.s32 $0xF900  }
0x24a: {  	[tilespmem:s13], [sflag:$0x2] =	stream.indirect_vreg.gather [hbm4b:s10+s5], $0x80, v3, vm0, $0xb8;
	[tilespmem:$0x1D900] =	vst v63  }
0x24b: {  	_ = 	snop  }
0x24c: {  	[tilespmem:s4], [sflag:$0x2] =	stream.indirect_vreg.gather [hbm4b:s11+s5], $0x80, v3, vm0, $0xb8;
	[tilespmem:$0x1D900] =	vst v63  }
0x24d: {  	v3 =	vld [tilespmem:$0xC0];
	_ =	sdelay $0x4  }
0x24e: {  	v54 =	vshll.u32 v3, $0x3  }
0x24f: {  	v3 =	vand.u32 $0x7, v3;
	v4 =	vand.u32 $0xFFFFFFC0, v54  }
0x250: {  	v3 =	vor.u32 v3, v4  }
0x251: {  	v4 =	vperm.xlane v3, v0;
	_ =	sdelay $0x1  }
0x252: {  	v4 =	vadd.s32 v1, v4;
	_ =	sdelay $0x4  }
0x253: {  	[tilespmem:s28], [sflag:$0x2] =	stream.indirect_vreg.gather [hbm4b:s0+s5], $0x80, v4, vm0, $0xb8;
	[tilespmem:$0x1D900] =	vst v63  }
0x254: {  	v3 =	vperm.xlane v3, v2  }
0x255: {  	[tilespmem:s29], [sflag:$0x2] =	stream.indirect_vreg.gather [hbm4b:s9+s5], $0x80, v4, vm0, $0xb8;
	[tilespmem:$0x1D900] =	vst v63  }
0x256: {  	s13 =	simm.s32 $0x11900;
	v3 =	vadd.s32 v1, v3  }
0x257: {  	[tilespmem:s13], [sflag:$0x2] =	stream.indirect_vreg.gather [hbm4b:s10+s5], $0x80, v4, vm0, $0xb8;
	[tilespmem:$0x1D900] =	vst v63  }
0x258: {  	s13 =	simm.s32 $0x12100  }
0x259: {  	[tilespmem:s13], [sflag:$0x2] =	stream.indirect_vreg.gather [hbm4b:s11+s5], $0x80, v4, vm0, $0xb8;
	[tilespmem:$0x1D900] =	vst v63  }
0x25a: {  	s13 =	simm.s32 $0x12900  }
0x25b: {  	[tilespmem:s13], [sflag:$0x2] =	stream.indirect_vreg.gather [hbm4b:s0+s5], $0x80, v3, vm0, $0xb8;
	[tilespmem:$0x1D900] =	vst v63  }
0x25c: {  	s13 =	simm.s32 $0x13100  }
0x25d: {  	[tilespmem:s13], [sflag:$0x2] =	stream.indirect_vreg.gather [hbm4b:s9+s5], $0x80, v3, vm0, $0xb8;
	[tilespmem:$0x1D900] =	vst v63  }
0x25e: {  	s13 =	simm.s32 $0x13900  }
0x25f: {  	[tilespmem:s13], [sflag:$0x2] =	stream.indirect_vreg.gather [hbm4b:s10+s5], $0x80, v3, vm0, $0xb8;
	[tilespmem:$0x1D900] =	vst v63  }
0x260: {  	_ = 	snop  }
0x261: {  	[tilespmem:s12], [sflag:$0x2] =	stream.indirect_vreg.gather [hbm4b:s11+s5], $0x80, v3, vm0, $0xb8;
	[tilespmem:$0x1D900] =	vst v63  }
0x262: {  	v3 =	vld [tilespmem:$0xD0];
	_ =	sdelay $0x4  }
0x263: {  	v55 =	vshll.u32 v3, $0x3  }
0x264: {  	v3 =	vand.u32 $0x7, v3;
	v4 =	vand.u32 $0xFFFFFFC0, v55  }
0x265: {  	v3 =	vor.u32 v3, v4  }
0x266: {  	v4 =	vperm.xlane v3, v0;
	_ =	sdelay $0x1  }
0x267: {  	v4 =	vadd.s32 v1, v4;
	_ =	sdelay $0x3  }
0x268: {  	s13 =	simm.s32 $0x14900  }
0x269: {  	[tilespmem:s13], [sflag:$0x2] =	stream.indirect_vreg.gather [hbm4b:s0+s5], $0x80, v4, vm0, $0xb8;
	[tilespmem:$0x1D900] =	vst v63  }
0x26a: {  	s12 =	simm.s32 $0x15100;
	v3 =	vperm.xlane v3, v2  }
0x26b: {  	[tilespmem:s12], [sflag:$0x2] =	stream.indirect_vreg.gather [hbm4b:s9+s5], $0x80, v4, vm0, $0xb8;
	[tilespmem:$0x1D900] =	vst v63  }
0x26c: {  	v3 =	vadd.s32 v1, v3  }
0x26d: {  	[tilespmem:s30], [sflag:$0x2] =	stream.indirect_vreg.gather [hbm4b:s10+s5], $0x80, v4, vm0, $0xb8;
	[tilespmem:$0x1D900] =	vst v63  }
0x26e: {  	_ = 	snop  }
0x26f: {  	[tilespmem:s26], [sflag:$0x2] =	stream.indirect_vreg.gather [hbm4b:s11+s5], $0x80, v4, vm0, $0xb8;
	[tilespmem:$0x1D900] =	vst v63  }
0x270: {  	_ = 	snop  }
0x271: {  	[tilespmem:s31], [sflag:$0x2] =	stream.indirect_vreg.gather [hbm4b:s0+s5], $0x80, v3, vm0, $0xb8;
	[tilespmem:$0x1D900] =	vst v63  }
0x272: {  	s13 =	simm.s32 $0x17100  }
0x273: {  	[tilespmem:s13], [sflag:$0x2] =	stream.indirect_vreg.gather [hbm4b:s9+s5], $0x80, v3, vm0, $0xb8;
	[tilespmem:$0x1D900] =	vst v63  }
0x274: {  	s26 =	simm.s32 $0x17900  }
0x275: {  	[tilespmem:s26], [sflag:$0x2] =	stream.indirect_vreg.gather [hbm4b:s10+s5], $0x80, v3, vm0, $0xb8;
	[tilespmem:$0x1D900] =	vst v63  }
0x276: {  	s4 =	simm.s32 $0x18100  }
0x277: {  	[tilespmem:s4], [sflag:$0x2] =	stream.indirect_vreg.gather [hbm4b:s11+s5], $0x80, v3, vm0, $0xb8;
	[tilespmem:$0x1D900] =	vst v63  }
0x278: {  	v3 =	vld.msk [tilespmem:$0xE0], $0xff;
	_ =	sdelay $0x4  }
0x279: {  	v56 =	vshll.u32 v3, $0x3  }
0x27a: {  	v3 =	vand.u32 $0x7, v3;
	v4 =	vand.u32 $0xFFFFFFC0, v56  }
0x27b: {  	v3 =	vor.u32 v3, v4  }
0x27c: {  	v3 =	vperm.xlane v3, v0;
	_ =	sdelay $0x1  }
0x27d: {  	v3 =	vadd.s32 v1, v3;
	_ =	sdelay $0x4  }
0x27e: {  	[tilespmem:s14], [sflag:$0x2] =	stream.indirect_vreg.gather [hbm4b:s0+s5], $0x80, v3, vm0, $0xb8;
	[tilespmem:$0x1D900] =	vst v63  }
0x27f: {  	_ = 	snop  }
0x280: {  	[tilespmem:s15], [sflag:$0x2] =	stream.indirect_vreg.gather [hbm4b:s9+s5], $0x80, v3, vm0, $0xb8;
	[tilespmem:$0x1D900] =	vst v63  }
0x281: {  	_ = 	snop  }
0x282: {  	[tilespmem:s16], [sflag:$0x2] =	stream.indirect_vreg.gather [hbm4b:s10+s5], $0x80, v3, vm0, $0xb8;
	[tilespmem:$0x1D900] =	vst v63  }
0x283: {  	s4 =	simm.s32 $0x1A100  }
0x284: {  	[tilespmem:s4], [sflag:$0x2] =	stream.indirect_vreg.gather [hbm4b:s11+s5], $0x80, v3, vm0, $0xb8;
	[tilespmem:$0x1D900] =	vst v63  }
0x285: {  	_ =	swait.ge [sflag:s2], $0x1A000  }
0x286: {  	[sflag:s2] =	ssyncset.done $0x0  }
0x287: {  	[sflag:s2] =	ssyncadd.s32 $0xFFFE6000  }
0x288: {  	v3 =	vld [tilespmem:$0x80];
	_ =	sdelay $0x4  }
0x289: {  	v57 =	vshll.u32 v3, $0x3  }
0x28a: {  	v3 =	vand.u32 $0x7, v3;
	v4 =	vand.u32 $0xFFFFFFC0, v57  }
0x28b: {  	v3 =	vor.u32 v3, v4  }
0x28c: {  	v4 =	vperm.xlane v3, v0;
	_ =	sdelay $0x1  }
0x28d: {  	v4 =	vadd.s32 v1, v4;
	_ =	sdelay $0x3  }
0x28e: {  	s2 =	simm.s32 $0x900  }
0x28f: {  	[hbm4b:s1+s5] =	stream.indirect_vreg.scatter [tilespmem:s2], [sflag:$0x3], $0x80, v4, vm0, $0xb8;
	[tilespmem:$0x1D900] =	vst v63  }
0x290: {  	v3 =	vperm.xlane v3, v2;
	s2 =	simm.s32 $0x1100  }
0x291: {  	[hbm4b:s6+s5] =	stream.indirect_vreg.scatter [tilespmem:s2], [sflag:$0x3], $0x80, v4, vm0, $0xb8;
	[tilespmem:$0x1D900] =	vst v63  }
0x292: {  	s20 =	simm.s32 $0x1900;
	v3 =	vadd.s32 v1, v3  }
0x293: {  	[hbm4b:s7+s5] =	stream.indirect_vreg.scatter [tilespmem:s20], [sflag:$0x3], $0x80, v4, vm0, $0xb8;
	[tilespmem:$0x1D900] =	vst v63  }
0x294: {  	s20 =	simm.s32 $0x2100  }
0x295: {  	[hbm4b:s8+s5] =	stream.indirect_vreg.scatter [tilespmem:s20], [sflag:$0x3], $0x80, v4, vm0, $0xb8;
	[tilespmem:$0x1D900] =	vst v63  }
0x296: {  	s20 =	simm.s32 $0x2900  }
0x297: {  	[hbm4b:s1+s5] =	stream.indirect_vreg.scatter [tilespmem:s20], [sflag:$0x3], $0x80, v3, vm0, $0xb8;
	[tilespmem:$0x1D900] =	vst v63  }
0x298: {  	s20 =	simm.s32 $0x3100  }
0x299: {  	[hbm4b:s6+s5] =	stream.indirect_vreg.scatter [tilespmem:s20], [sflag:$0x3], $0x80, v3, vm0, $0xb8;
	[tilespmem:$0x1D900] =	vst v63  }
0x29a: {  	s20 =	simm.s32 $0x3900  }
0x29b: {  	[hbm4b:s7+s5] =	stream.indirect_vreg.scatter [tilespmem:s20], [sflag:$0x3], $0x80, v3, vm0, $0xb8;
	[tilespmem:$0x1D900] =	vst v63  }
0x29c: {  	s20 =	simm.s32 $0x4100  }
0x29d: {  	[hbm4b:s8+s5] =	stream.indirect_vreg.scatter [tilespmem:s20], [sflag:$0x3], $0x80, v3, vm0, $0xb8;
	[tilespmem:$0x1D900] =	vst v63  }
0x29e: {  	v3 =	vld [tilespmem:$0x90];
	_ =	sdelay $0x4  }
0x29f: {  	v58 =	vshll.u32 v3, $0x3  }
0x2a0: {  	v3 =	vand.u32 $0x7, v3;
	v4 =	vand.u32 $0xFFFFFFC0, v58  }
0x2a1: {  	v3 =	vor.u32 v3, v4  }
0x2a2: {  	v4 =	vperm.xlane v3, v0;
	_ =	sdelay $0x1  }
0x2a3: {  	v4 =	vadd.s32 v1, v4;
	_ =	sdelay $0x3  }
0x2a4: {  	s20 =	simm.s32 $0x4900  }
0x2a5: {  	[hbm4b:s1+s5] =	stream.indirect_vreg.scatter [tilespmem:s20], [sflag:$0x3], $0x80, v4, vm0, $0xb8;
	[tilespmem:$0x1D900] =	vst v63  }
0x2a6: {  	v3 =	vperm.xlane v3, v2;
	s20 =	simm.s32 $0x5100  }
0x2a7: {  	[hbm4b:s6+s5] =	stream.indirect_vreg.scatter [tilespmem:s20], [sflag:$0x3], $0x80, v4, vm0, $0xb8;
	[tilespmem:$0x1D900] =	vst v63  }
0x2a8: {  	v3 =	vadd.s32 v1, v3;
	s20 =	simm.s32 $0x5900  }
0x2a9: {  	[hbm4b:s7+s5] =	stream.indirect_vreg.scatter [tilespmem:s20], [sflag:$0x3], $0x80, v4, vm0, $0xb8;
	[tilespmem:$0x1D900] =	vst v63  }
0x2aa: {  	s20 =	simm.s32 $0x6100  }
0x2ab: {  	[hbm4b:s8+s5] =	stream.indirect_vreg.scatter [tilespmem:s20], [sflag:$0x3], $0x80, v4, vm0, $0xb8;
	[tilespmem:$0x1D900] =	vst v63  }
0x2ac: {  	s19 =	simm.s32 $0x6900  }
0x2ad: {  	[hbm4b:s1+s5] =	stream.indirect_vreg.scatter [tilespmem:s19], [sflag:$0x3], $0x80, v3, vm0, $0xb8;
	[tilespmem:$0x1D900] =	vst v63  }
0x2ae: {  	s17 =	simm.s32 $0x7100  }
0x2af: {  	[hbm4b:s6+s5] =	stream.indirect_vreg.scatter [tilespmem:s17], [sflag:$0x3], $0x80, v3, vm0, $0xb8;
	[tilespmem:$0x1D900] =	vst v63  }
0x2b0: {  	s18 =	simm.s32 $0x7900  }
0x2b1: {  	[hbm4b:s7+s5] =	stream.indirect_vreg.scatter [tilespmem:s18], [sflag:$0x3], $0x80, v3, vm0, $0xb8;
	[tilespmem:$0x1D900] =	vst v63  }
0x2b2: {  	s17 =	simm.s32 $0x8100  }
0x2b3: {  	[hbm4b:s8+s5] =	stream.indirect_vreg.scatter [tilespmem:s17], [sflag:$0x3], $0x80, v3, vm0, $0xb8;
	[tilespmem:$0x1D900] =	vst v63  }
0x2b4: {  	v3 =	vld [tilespmem:$0xA0];
	_ =	sdelay $0x4  }
0x2b5: {  	v59 =	vshll.u32 v3, $0x3  }
0x2b6: {  	v3 =	vand.u32 $0x7, v3;
	v4 =	vand.u32 $0xFFFFFFC0, v59  }
0x2b7: {  	v3 =	vor.u32 v3, v4  }
0x2b8: {  	v4 =	vperm.xlane v3, v0;
	_ =	sdelay $0x1  }
0x2b9: {  	v4 =	vadd.s32 v1, v4;
	_ =	sdelay $0x3  }
0x2ba: {  	s18 =	simm.s32 $0x8900  }
0x2bb: {  	[hbm4b:s1+s5] =	stream.indirect_vreg.scatter [tilespmem:s18], [sflag:$0x3], $0x80, v4, vm0, $0xb8;
	[tilespmem:$0x1D900] =	vst v63  }
0x2bc: {  	s19 =	simm.s32 $0x9100;
	v3 =	vperm.xlane v3, v2  }
0x2bd: {  	[hbm4b:s6+s5] =	stream.indirect_vreg.scatter [tilespmem:s19], [sflag:$0x3], $0x80, v4, vm0, $0xb8;
	[tilespmem:$0x1D900] =	vst v63  }
0x2be: {  	s20 =	simm.s32 $0x9900;
	v3 =	vadd.s32 v1, v3  }
0x2bf: {  	[hbm4b:s7+s5] =	stream.indirect_vreg.scatter [tilespmem:s20], [sflag:$0x3], $0x80, v4, vm0, $0xb8;
	[tilespmem:$0x1D900] =	vst v63  }
0x2c0: {  	s17 =	simm.s32 $0xA100  }
0x2c1: {  	[hbm4b:s8+s5] =	stream.indirect_vreg.scatter [tilespmem:s17], [sflag:$0x3], $0x80, v4, vm0, $0xb8;
	[tilespmem:$0x1D900] =	vst v63  }
0x2c2: {  	s18 =	simm.s32 $0xA900  }
0x2c3: {  	[hbm4b:s1+s5] =	stream.indirect_vreg.scatter [tilespmem:s18], [sflag:$0x3], $0x80, v3, vm0, $0xb8;
	[tilespmem:$0x1D900] =	vst v63  }
0x2c4: {  	s19 =	simm.s32 $0xB100  }
0x2c5: {  	[hbm4b:s6+s5] =	stream.indirect_vreg.scatter [tilespmem:s19], [sflag:$0x3], $0x80, v3, vm0, $0xb8;
	[tilespmem:$0x1D900] =	vst v63  }
0x2c6: {  	s20 =	simm.s32 $0xB900  }
0x2c7: {  	[hbm4b:s7+s5] =	stream.indirect_vreg.scatter [tilespmem:s20], [sflag:$0x3], $0x80, v3, vm0, $0xb8;
	[tilespmem:$0x1D900] =	vst v63  }
0x2c8: {  	s21 =	simm.s32 $0xC100  }
0x2c9: {  	[hbm4b:s8+s5] =	stream.indirect_vreg.scatter [tilespmem:s21], [sflag:$0x3], $0x80, v3, vm0, $0xb8;
	[tilespmem:$0x1D900] =	vst v63  }
0x2ca: {  	v3 =	vld [tilespmem:$0xB0];
	_ =	sdelay $0x4  }
0x2cb: {  	v60 =	vshll.u32 v3, $0x3  }
0x2cc: {  	v3 =	vand.u32 $0x7, v3;
	v4 =	vand.u32 $0xFFFFFFC0, v60  }
0x2cd: {  	v3 =	vor.u32 v3, v4  }
0x2ce: {  	v4 =	vperm.xlane v3, v0;
	_ =	sdelay $0x1  }
0x2cf: {  	v4 =	vadd.s32 v1, v4;
	_ =	sdelay $0x3  }
0x2d0: {  	s22 =	simm.s32 $0xC900  }
0x2d1: {  	[hbm4b:s1+s5] =	stream.indirect_vreg.scatter [tilespmem:s22], [sflag:$0x3], $0x80, v4, vm0, $0xb8;
	[tilespmem:$0x1D900] =	vst v63  }
0x2d2: {  	s23 =	simm.s32 $0xD100;
	v3 =	vperm.xlane v3, v2  }
0x2d3: {  	[hbm4b:s6+s5] =	stream.indirect_vreg.scatter [tilespmem:s23], [sflag:$0x3], $0x80, v4, vm0, $0xb8;
	[tilespmem:$0x1D900] =	vst v63  }
0x2d4: {  	v3 =	vadd.s32 v1, v3;
	s23 =	simm.s32 $0xD900  }
0x2d5: {  	[hbm4b:s7+s5] =	stream.indirect_vreg.scatter [tilespmem:s23], [sflag:$0x3], $0x80, v4, vm0, $0xb8;
	[tilespmem:$0x1D900] =	vst v63  }
0x2d6: {  	s17 =	simm.s32 $0xE100  }
0x2d7: {  	[hbm4b:s8+s5] =	stream.indirect_vreg.scatter [tilespmem:s17], [sflag:$0x3], $0x80, v4, vm0, $0xb8;
	[tilespmem:$0x1D900] =	vst v63  }
0x2d8: {  	s18 =	simm.s32 $0xE900  }
0x2d9: {  	[hbm4b:s1+s5] =	stream.indirect_vreg.scatter [tilespmem:s18], [sflag:$0x3], $0x80, v3, vm0, $0xb8;
	[tilespmem:$0x1D900] =	vst v63  }
0x2da: {  	s19 =	simm.s32 $0xF100  }
0x2db: {  	[hbm4b:s6+s5] =	stream.indirect_vreg.scatter [tilespmem:s19], [sflag:$0x3], $0x80, v3, vm0, $0xb8;
	[tilespmem:$0x1D900] =	vst v63  }
0x2dc: {  	s20 =	simm.s32 $0xF900  }
0x2dd: {  	[hbm4b:s7+s5] =	stream.indirect_vreg.scatter [tilespmem:s20], [sflag:$0x3], $0x80, v3, vm0, $0xb8;
	[tilespmem:$0x1D900] =	vst v63  }
0x2de: {  	s21 =	simm.s32 $0x10100  }
0x2df: {  	[hbm4b:s8+s5] =	stream.indirect_vreg.scatter [tilespmem:s21], [sflag:$0x3], $0x80, v3, vm0, $0xb8;
	[tilespmem:$0x1D900] =	vst v63  }
0x2e0: {  	v3 =	vld [tilespmem:$0xC0];
	_ =	sdelay $0x4  }
0x2e1: {  	v61 =	vshll.u32 v3, $0x3  }
0x2e2: {  	v3 =	vand.u32 $0x7, v3;
	v4 =	vand.u32 $0xFFFFFFC0, v61  }
0x2e3: {  	v3 =	vor.u32 v3, v4  }
0x2e4: {  	v4 =	vperm.xlane v3, v0;
	_ =	sdelay $0x1  }
0x2e5: {  	v4 =	vadd.s32 v1, v4;
	_ =	sdelay $0x3  }
0x2e6: {  	s28 =	simm.s32 $0x10900  }
0x2e7: {  	[hbm4b:s1+s5] =	stream.indirect_vreg.scatter [tilespmem:s28], [sflag:$0x3], $0x80, v4, vm0, $0xb8;
	[tilespmem:$0x1D900] =	vst v63  }
0x2e8: {  	s29 =	simm.s32 $0x11100;
	v3 =	vperm.xlane v3, v2  }
0x2e9: {  	[hbm4b:s6+s5] =	stream.indirect_vreg.scatter [tilespmem:s29], [sflag:$0x3], $0x80, v4, vm0, $0xb8;
	[tilespmem:$0x1D900] =	vst v63  }
0x2ea: {  	s22 =	simm.s32 $0x11900;
	v3 =	vadd.s32 v1, v3  }
0x2eb: {  	[hbm4b:s7+s5] =	stream.indirect_vreg.scatter [tilespmem:s22], [sflag:$0x3], $0x80, v4, vm0, $0xb8;
	[tilespmem:$0x1D900] =	vst v63  }
0x2ec: {  	s23 =	simm.s32 $0x12100  }
0x2ed: {  	[hbm4b:s8+s5] =	stream.indirect_vreg.scatter [tilespmem:s23], [sflag:$0x3], $0x80, v4, vm0, $0xb8;
	[tilespmem:$0x1D900] =	vst v63  }
0x2ee: {  	s28 =	simm.s32 $0x12900  }
0x2ef: {  	[hbm4b:s1+s5] =	stream.indirect_vreg.scatter [tilespmem:s28], [sflag:$0x3], $0x80, v3, vm0, $0xb8;
	[tilespmem:$0x1D900] =	vst v63  }
0x2f0: {  	s29 =	simm.s32 $0x13100  }
0x2f1: {  	[hbm4b:s6+s5] =	stream.indirect_vreg.scatter [tilespmem:s29], [sflag:$0x3], $0x80, v3, vm0, $0xb8;
	[tilespmem:$0x1D900] =	vst v63  }
0x2f2: {  	s17 =	simm.s32 $0x13900  }
0x2f3: {  	[hbm4b:s7+s5] =	stream.indirect_vreg.scatter [tilespmem:s17], [sflag:$0x3], $0x80, v3, vm0, $0xb8;
	[tilespmem:$0x1D900] =	vst v63  }
0x2f4: {  	s18 =	simm.s32 $0x14100  }
0x2f5: {  	[hbm4b:s8+s5] =	stream.indirect_vreg.scatter [tilespmem:s18], [sflag:$0x3], $0x80, v3, vm0, $0xb8;
	[tilespmem:$0x1D900] =	vst v63  }
0x2f6: {  	v3 =	vld [tilespmem:$0xD0];
	_ =	sdelay $0x4  }
0x2f7: {  	v62 =	vshll.u32 v3, $0x3  }
0x2f8: {  	v3 =	vand.u32 $0x7, v3;
	v4 =	vand.u32 $0xFFFFFFC0, v62  }
0x2f9: {  	v3 =	vor.u32 v3, v4  }
0x2fa: {  	v4 =	vperm.xlane v3, v0;
	_ =	sdelay $0x1  }
0x2fb: {  	v4 =	vadd.s32 v1, v4;
	_ =	sdelay $0x3  }
0x2fc: {  	s19 =	simm.s32 $0x14900  }
0x2fd: {  	[hbm4b:s1+s5] =	stream.indirect_vreg.scatter [tilespmem:s19], [sflag:$0x3], $0x80, v4, vm0, $0xb8;
	[tilespmem:$0x1D900] =	vst v63  }
0x2fe: {  	s20 =	simm.s32 $0x15100;
	v3 =	vperm.xlane v3, v2  }
0x2ff: {  	[hbm4b:s6+s5] =	stream.indirect_vreg.scatter [tilespmem:s20], [sflag:$0x3], $0x80, v4, vm0, $0xb8;
	[tilespmem:$0x1D900] =	vst v63  }
0x300: {  	s30 =	simm.s32 $0x15900;
	v3 =	vadd.s32 v1, v3  }
0x301: {  	[hbm4b:s7+s5] =	stream.indirect_vreg.scatter [tilespmem:s30], [sflag:$0x3], $0x80, v4, vm0, $0xb8;
	[tilespmem:$0x1D900] =	vst v63  }
0x302: {  	s21 =	simm.s32 $0x16100  }
0x303: {  	[hbm4b:s8+s5] =	stream.indirect_vreg.scatter [tilespmem:s21], [sflag:$0x3], $0x80, v4, vm0, $0xb8;
	[tilespmem:$0x1D900] =	vst v63  }
0x304: {  	s31 =	simm.s32 $0x16900  }
0x305: {  	[hbm4b:s1+s5] =	stream.indirect_vreg.scatter [tilespmem:s31], [sflag:$0x3], $0x80, v3, vm0, $0xb8;
	[tilespmem:$0x1D900] =	vst v63  }
0x306: {  	s12 =	simm.s32 $0x17100  }
0x307: {  	[hbm4b:s6+s5] =	stream.indirect_vreg.scatter [tilespmem:s12], [sflag:$0x3], $0x80, v3, vm0, $0xb8;
	[tilespmem:$0x1D900] =	vst v63  }
0x308: {  	s13 =	simm.s32 $0x17900  }
0x309: {  	[hbm4b:s7+s5] =	stream.indirect_vreg.scatter [tilespmem:s13], [sflag:$0x3], $0x80, v3, vm0, $0xb8;
	[tilespmem:$0x1D900] =	vst v63  }
0x30a: {  	s26 =	simm.s32 $0x18100  }
0x30b: {  	[hbm4b:s8+s5] =	stream.indirect_vreg.scatter [tilespmem:s26], [sflag:$0x3], $0x80, v3, vm0, $0xb8;
	[tilespmem:$0x1D900] =	vst v63  }
0x30c: {  	v3 =	vld.msk [tilespmem:$0xE0], $0xff;
	_ =	sdelay $0x4  }
0x30d: {  	v63 =	vshll.u32 v3, $0x3  }
0x30e: {  	v3 =	vand.u32 $0x7, v3;
	v4 =	vand.u32 $0xFFFFFFC0, v63  }
0x30f: {  	v3 =	vor.u32 v3, v4  }
0x310: {  	v3 =	vperm.xlane v3, v0;
	_ =	sdelay $0x1  }
0x311: {  	v3 =	vadd.s32 v1, v3;
	_ =	sdelay $0x3  }
0x312: {  	s14 =	simm.s32 $0x18900  }
0x313: {  	[hbm4b:s1+s5] =	stream.indirect_vreg.scatter [tilespmem:s14], [sflag:$0x3], $0x80, v3, vm0, $0xb8;
	[tilespmem:$0x1D900] =	vst v63  }
0x314: {  	s15 =	simm.s32 $0x19100  }
0x315: {  	[hbm4b:s6+s5] =	stream.indirect_vreg.scatter [tilespmem:s15], [sflag:$0x3], $0x80, v3, vm0, $0xb8;
	[tilespmem:$0x1D900] =	vst v63  }
0x316: {  	s16 =	simm.s32 $0x19900  }
0x317: {  	[hbm4b:s7+s5] =	stream.indirect_vreg.scatter [tilespmem:s16], [sflag:$0x3], $0x80, v3, vm0, $0xb8;
	[tilespmem:$0x1D900] =	vst v63  }
0x318: {  	_ = 	snop  }
0x319: {  	[hbm4b:s8+s5] =	stream.indirect_vreg.scatter [tilespmem:s4], [sflag:$0x3], $0x80, v3, vm0, $0xb8;
	[tilespmem:$0x1D900] =	vst v63  }
0x31a: {  	_ =	swait.ge [sflag:s3], $0x1A000  }
0x31b: {  	[sflag:s3] =	ssyncset.done $0x0  }
0x31c: {  	[sflag:s3] =	ssyncadd.s32 $0xFFFE6000  }
0x31d: {  	s29 =	stileid.u32;
	s22 =	rddreg [dreg:$0x16];
	[bflag:$0x0] =	sbarrier.arrive $0xFFFF  }
0x31e: {  	s28 =	sshll.u32 s29, $0x6;
	s30 =	rddreg [dreg:$0x3]  }
0x31f: {  	s28 =	sor.u32 $0x1C01, s28;
	s23 =	rddreg [dreg:$0xf];
	s31 =	sshrl.u32 s30, $0x3  }
0x320: {  	[hbm:s23], [sflag:s28] =	dma.local [spmem:s31], $0x2000  }
0x321: {  	s26 =	rddreg [dreg:$0x10]  }
0x322: {  	[hbm:s26], [sflag:s28] =	dma.local [spmem:s31], $0x800  }
0x323: {  	s26 =	rddreg [dreg:$0x11]  }
0x324: {  	[hbm:s26], [sflag:s28] =	dma.local [spmem:s31], $0x2000  }
0x325: {  	s26 =	rddreg [dreg:$0x12]  }
0x326: {  	[hbm:s26], [sflag:s28] =	dma.local [spmem:s31], $0x800  }
0x327: {  	s26 =	rddreg [dreg:$0x13]  }
0x328: {  	[hbm:s26], [sflag:s28] =	dma.local [spmem:s31], $0x2000  }
0x329: {  	s26 =	rddreg [dreg:$0x14]  }
0x32a: {  	[hbm:s26], [sflag:s28] =	dma.local [spmem:s31], $0x800  }
0x32b: {  	_ =	swait.ge [sflag:s24], $0x2000  }
0x32c: {  	[sflag:s24] =	ssyncset.done $0x0  }
0x32d: {  	[sflag:s24] =	ssyncadd.s32 $0xFFFFE000  }
0x32e: {  	_ =	swait.ge [sflag:s24], $0x800  }
0x32f: {  	[sflag:s24] =	ssyncset.done $0x0  }
0x330: {  	[sflag:s24] =	ssyncadd.s32 $0xFFFFF800  }
0x331: {  	_ =	swait.ge [sflag:s24], $0x2000  }
0x332: {  	[sflag:s24] =	ssyncset.done $0x0  }
0x333: {  	[sflag:s24] =	ssyncadd.s32 $0xFFFFE000  }
0x334: {  	_ =	swait.ge [sflag:s24], $0x800  }
0x335: {  	[sflag:s24] =	ssyncset.done $0x0  }
0x336: {  	[sflag:s24] =	ssyncadd.s32 $0xFFFFF800  }
0x337: {  	_ =	swait.ge [sflag:s24], $0x2000  }
0x338: {  	[sflag:s24] =	ssyncset.done $0x0  }
0x339: {  	[sflag:s24] =	ssyncadd.s32 $0xFFFFE000  }
0x33a: {  	_ =	swait.ge [sflag:s24], $0x800  }
0x33b: {  	[sflag:s24] =	ssyncset.done $0x0  }
0x33c: {  	[sflag:s24] =	ssyncadd.s32 $0xFFFFF800  }
0x33d: {  	_ =	swait.ge [sflag:s25], $0x2000  }
0x33e: {  	[sflag:s25] =	ssyncset.done $0x0  }
0x33f: {  	[sflag:s25] =	ssyncadd.s32 $0xFFFFE000  }
0x340: {  	_ =	swait.ge [sflag:s25], $0x2000  }
0x341: {  	[sflag:s25] =	ssyncset.done $0x0  }
0x342: {  	[sflag:s25] =	ssyncadd.s32 $0xFFFFE000  }
0x343: {  	_ =	swait.ge [sflag:s25], $0x2000  }
0x344: {  	[sflag:s25] =	ssyncset.done $0x0  }
0x345: {  	[sflag:s25] =	ssyncadd.s32 $0xFFFFE000  }
0x346: {  	_ =	swait.ge [sflag:s25], $0x2000  }
0x347: {  	[sflag:s25] =	ssyncset.done $0x0  }
0x348: {  	[sflag:s25] =	ssyncadd.s32 $0xFFFFE000  }
0x349: {  	_ =	swait.ge [sflag:s25], $0x2000  }
0x34a: {  	[sflag:s25] =	ssyncset.done $0x0  }
0x34b: {  	[sflag:s25] =	ssyncadd.s32 $0xFFFFE000  }
0x34c: {  	_ =	swait.ge [sflag:s25], $0x2000  }
0x34d: {  	[sflag:s25] =	ssyncset.done $0x0  }
0x34e: {  	[sflag:s25] =	ssyncadd.s32 $0xFFFFE000  }
0x34f: {  	_ =	swait.ge [sflag:s25], $0x2000  }
0x350: {  	[sflag:s25] =	ssyncset.done $0x0  }
0x351: {  	[sflag:s25] =	ssyncadd.s32 $0xFFFFE000  }
0x352: {  	_ =	swait.ge [sflag:s25], $0x2000  }
0x353: {  	[sflag:s25] =	ssyncset.done $0x0  }
0x354: {  	s3 =	sadd.s32 $0xFFFFFFFF, s22;
	[sflag:s25] =	ssyncadd.s32 $0xFFFFE000  }
0x355: {  	p1 =	sne.s32 s3, $0x0;
	_ =	swait.ge [sflag:s25], $0x2000  }
.Ltmp0:
0x356: {  	[sflag:s25] =	ssyncset.done $0x0;
	(pc) =	sbr.rel @p1 .LBB2_1-.Ltmp0, $4  }
0x357: {  	[sflag:s25] =	ssyncadd.s32 $0xFFFFE000  }
0x358: {  	_ =	swait.ge [sflag:s25], $0x2000  }
0x359: {  	[sflag:s25] =	ssyncset.done $0x0  }
0x35a: {  	[sflag:s25] =	ssyncadd.s32 $0xFFFFE000  }
0x35b: {  	_ =	sfence.sel $0x180000  }
0x35c: {  	[bflag:$0x0] =	sbarrier.arrive $0xFFFF  }
0x35d: {  	_ =	strace $0x90000047  }
0x35e: {  	[bflag:$0x2] =	sbarrier.arrive $0xFFFF  }
0x35f: {  	s0 =	rddreg [dreg:$0x4]  }
0x360: {  	s0 =	sadd.s32 @!p0 $0x100000, s0  }
0x361: {  	[sflag:s0] =	ssyncadd.tile.s32 @!p0 $0x1;
	_ =	shalt  }
.Lfunc_end2:
_tile_overlayer_lowered:
.L_overlay_start_2:
0x362: {  	(tag) =	ssettag $0x2  }
0x363: {  	s0 =	rddreg [dreg:$0x0];
	s2 =	stileid.u32  }
0x364: {  	s1 =	rddreg [dreg:$0x1];
	p0 =	sne.s32 s2, $0x0  }
0x365: {  	s3 =	rddreg [dreg:$0x2];
	[bflag:$0x3] =	sbarrier.arrive $0xFFFF;
	s2 =	simm.s32 @!p0 $0x1C05  }
0x366: {  	[timem:s3], [sflag:s2] =	dma.local @!p0 [hbm:s0], s1  }
0x367: {  	s0 =	simm.s32 @!p0 $0x5  }
0x368: {  	_ =	swait.ge @!p0 [sflag:s0], s1  }
0x369: {  	s1 =	ssub.s32 @!p0 $0x0, s1;
	[sflag:s0] =	ssyncset.done @!p0 $0x0  }
0x36a: {  	[sflag:s0] =	ssyncadd.s32 @!p0 s1  }
0x36b: {  	[bflag:$0x3] =	sbarrier.arrive $0xFFFF  }
0x36c: {  	_ =	shalt  }

</sc_bundles>
